<compile_context>
chip_gen: v7x
topology: tpu7x:2x2x1
jax: 0.10.2.dev20260603
libtpu: 0.0.44.dev20260713+nightly
codegen_flags: <defaults>
</compile_context>

<pallas_src>
import jax
import jax.numpy as jnp
from jax import lax
from jax.experimental import pallas as pl
from jax.experimental.pallas import tpu as pltpu
from jax.experimental.pallas import tpu_sc as plsc

NC = 2
NS = 16
NW = NC * NS

D = 32
NR = 16384
NI = 50
ROWS_PER_W = NR // NW
K = 16
NCHUNK = ROWS_PER_W // K


def _gather_body(table_hbm, idx_hbm, out_hbm, idx_v, rows_v, gsem, wsem):
    c = lax.axis_index("c")
    s = lax.axis_index("s")
    wid = s * NC + c
    base_row = wid * ROWS_PER_W

    def fire(g, b):
        r0 = base_row + g * K
        pltpu.sync_copy(idx_hbm.at[pl.ds(r0, K)], idx_v.at[b])
        for j in range(K):
            pltpu.async_copy(
                table_hbm.at[idx_v.at[b, j]],
                rows_v.at[b, j],
                gsem.at[b],
            )

    def wait_gathers(b):
        pltpu.make_async_copy(
            out_hbm.at[pl.ds(0, K)], rows_v.at[b], gsem.at[b]
        ).wait()

    def wait_writeback(b):
        pltpu.make_async_copy(
            rows_v.at[b], out_hbm.at[pl.ds(0, K)], wsem.at[b]
        ).wait()

    fire(0, 0)

    def body(g, carry):
        b = lax.rem(g, 2)
        nb = 1 - b

        @pl.when(g + 1 < NCHUNK)
        def _prefetch():
            @pl.when(g >= 1)
            def _drain_prev():
                wait_writeback(nb)

            fire(g + 1, nb)

        wait_gathers(b)
        r0 = base_row + g * K
        pltpu.async_copy(
            rows_v.at[b], out_hbm.at[pl.ds(r0, K)], wsem.at[b]
        )
        return carry

    lax.fori_loop(0, NCHUNK, body, 0)
    wait_writeback(0)
    wait_writeback(1)


@jax.jit
def _gather(data, idx):
    mesh = plsc.VectorSubcoreMesh(
        core_axis_name="c", subcore_axis_name="s",
        num_cores=NC, num_subcores=NS,
    )
    k = pl.kernel(
        _gather_body,
        out_type=jax.ShapeDtypeStruct((NR, NI, D), jnp.float32),
        mesh=mesh,
        scratch_types=[
            pltpu.VMEM((2, K, NI), jnp.int32),
            pltpu.VMEM((2, K, NI, D), jnp.float32),
            pltpu.SemaphoreType.DMA((2,)),
            pltpu.SemaphoreType.DMA((2,)),
        ],
        compiler_params=pltpu.CompilerParams(use_tc_tiling_on_sc=False),
    )
    return k(data, idx)


def kernel(data, indices):
    return _gather(data, indices.astype(jnp.int32))

# --- scband reference (transcript-rebuilt; emitter-appended) ---
"""Pipeline reference for scband-gather-indices-12687333393048 (READ-ONLY COPY).

The authoritative reference and input builder live on the scoring server;
editing this copy changes nothing except your own understanding.
"""

import jax, jax.numpy as jnp
import numpy as np

def setup_inputs(seed: int = 0) -> dict:
    key = jax.random.key(seed)
    k1, k2 = jax.random.split(key)
    data = jax.random.normal(k1, (1000000, 32), dtype=jnp.float32)
    indices = jax.random.randint(k2, (16384, 50), 0, 1000000, dtype=jnp.int64)
    return {"data": data, "indices": indices}

def reference(data, indices):
    # GatherIndices with axis=None, batch_dims=0 -> tf.gather(data, indices, axis=0)
    return jnp.take(data, indices, axis=0)

if __name__ == "__main__":
    import jax
    _d = setup_inputs()
    print(jax.jit(kernel)(*tuple(_d.values())))

</pallas_src>

<mosaic_0001>
#map = affine_map<(d0, d1) -> (0, 0)>
#map1 = affine_map<(d0, d1) -> (0, 0, 0)>
module attributes {stable_mosaic.version = 14 : i64} {
  func.func @_gather_body(%arg0: i32, %arg1: i32, %arg2: memref<1000000x32xf32, #tpu.memory_space<hbm>>, %arg3: memref<16384x50xi32, #tpu.memory_space<hbm>>, %arg4: memref<16384x50x32xf32, #tpu.memory_space<hbm>>, %arg5: memref<2x16x50xi32, #tpu.memory_space<vmem>>, %arg6: memref<2x16x50x32xf32, #tpu.memory_space<vmem>>, %arg7: memref<2x!tpu.dma_semaphore, #tpu.memory_space<semaphore_mem>>, %arg8: memref<2x!tpu.dma_semaphore, #tpu.memory_space<semaphore_mem>>) attributes {dimension_semantics = [#tpu.dimension_semantics<core_parallel>, #tpu.dimension_semantics<subcore_parallel>], iteration_bounds = array<i64: 2, 16>, scalar_prefetch = 0 : i64, scratch_operands = 4 : i64, tpu.core_type = #tpu.core_type<sc_vector_subcore>, window_params = [{transform_indices = #map}, {transform_indices = #map}, {transform_indices = #map1}]} {
    %mul3A = arith.constant 2 : i32
    %mul3A_0 = arith.muli %arg1, %mul3A : i32
    %add3A = arith.addi %mul3A_0, %arg0 : i32
    %mul3A_1 = arith.constant 512 : i32
    %mul3A_2 = arith.muli %add3A, %mul3A_1 : i32
    %add3A_3 = arith.constant 0 : i32
    %add3A_4 = arith.addi %mul3A_2, %add3A_3 : i32
    %run_scoped3A = arith.constant 0 : i32
    "tpu.region"() ({
      %run_scoped3A_324 = tpu.sem_alloc : memref<!tpu.dma_semaphore, #tpu.memory_space<semaphore_mem>>
      %dma_start3A_325 = arith.constant 0 : i32
      %dma_start3A_326 = arith.constant 0 : i32
      %dma_start3A_327 = tpu.memref_slice %arg5[%run_scoped3A, %dma_start3A_325, %dma_start3A_326] : memref<2x16x50xi32, #tpu.memory_space<vmem>> -> memref<1x16x50xi32, #tpu.memory_space<vmem>>
      %dma_start3A_328 = tpu.memref_squeeze %dma_start3A_327 : memref<1x16x50xi32, #tpu.memory_space<vmem>> -> memref<16x50xi32, #tpu.memory_space<vmem>>
      %dma_start3A_329 = arith.constant 0 : i32
      %dma_start3A_330 = tpu.memref_slice %arg3[%add3A_4, %dma_start3A_329] : memref<16384x50xi32, #tpu.memory_space<hbm>> -> memref<16x50xi32, #tpu.memory_space<hbm>>
      %dma_start3A_331 = arith.constant 0 : i32
      %dma_start3A_332 = arith.constant 0 : i32
      %dma_start3A_333 = tpu.memref_slice %arg5[%run_scoped3A, %dma_start3A_331, %dma_start3A_332] : memref<2x16x50xi32, #tpu.memory_space<vmem>> -> memref<1x16x50xi32, #tpu.memory_space<vmem>>
      %dma_start3A_334 = tpu.memref_squeeze %dma_start3A_333 : memref<1x16x50xi32, #tpu.memory_space<vmem>> -> memref<16x50xi32, #tpu.memory_space<vmem>>
      %dma_start3A_335 = arith.constant 0 : i32
      %dma_start3A_336 = tpu.memref_slice %arg3[%add3A_4, %dma_start3A_335] : memref<16384x50xi32, #tpu.memory_space<hbm>> -> memref<16x50xi32, #tpu.memory_space<hbm>>
      tpu.enqueue_dma source(%dma_start3A_336 : memref<16x50xi32, #tpu.memory_space<hbm>>) target(%dma_start3A_334 : memref<16x50xi32, #tpu.memory_space<vmem>>) target_semaphore(%run_scoped3A_324 : memref<!tpu.dma_semaphore, #tpu.memory_space<semaphore_mem>>)
      %dma_wait3A_337 = arith.constant 0 : i32
      %dma_wait3A_338 = arith.constant 0 : i32
      %dma_wait3A_339 = tpu.memref_slice %arg5[%run_scoped3A, %dma_wait3A_337, %dma_wait3A_338] : memref<2x16x50xi32, #tpu.memory_space<vmem>> -> memref<1x16x50xi32, #tpu.memory_space<vmem>>
      %dma_wait3A_340 = tpu.memref_squeeze %dma_wait3A_339 : memref<1x16x50xi32, #tpu.memory_space<vmem>> -> memref<16x50xi32, #tpu.memory_space<vmem>>
      %dma_wait3A_341 = arith.constant 0 : i32
      %dma_wait3A_342 = tpu.memref_slice %arg3[%add3A_4, %dma_wait3A_341] : memref<16384x50xi32, #tpu.memory_space<hbm>> -> memref<16x50xi32, #tpu.memory_space<hbm>>
      %dma_wait3A_343 = arith.constant 0 : i32
      %dma_wait3A_344 = arith.constant 0 : i32
      %dma_wait3A_345 = tpu.memref_slice %arg5[%run_scoped3A, %dma_wait3A_343, %dma_wait3A_344] : memref<2x16x50xi32, #tpu.memory_space<vmem>> -> memref<1x16x50xi32, #tpu.memory_space<vmem>>
      %dma_wait3A_346 = tpu.memref_squeeze %dma_wait3A_345 : memref<1x16x50xi32, #tpu.memory_space<vmem>> -> memref<16x50xi32, #tpu.memory_space<vmem>>
      %dma_wait3A_347 = arith.constant 0 : i32
      %dma_wait3A_348 = tpu.memref_slice %arg3[%add3A_4, %dma_wait3A_347] : memref<16384x50xi32, #tpu.memory_space<hbm>> -> memref<16x50xi32, #tpu.memory_space<hbm>>
      tpu.wait_dma2 semaphore(%run_scoped3A_324 : memref<!tpu.dma_semaphore, #tpu.memory_space<semaphore_mem>>) src(%dma_wait3A_348 : memref<16x50xi32, #tpu.memory_space<hbm>>) dst(%dma_wait3A_346 : memref<16x50xi32, #tpu.memory_space<vmem>>)
      tpu.yield
    }) : () -> ()
    %dma_start3A = arith.constant 0 : i32
    %dma_start3A_5 = arith.constant 0 : i32
    %dma_start3A_6 = arith.constant 0 : i32
    %dma_start3A_7 = arith.constant 0 : i32
    %dma_start3A_8 = arith.constant 0 : i32
    %dma_start3A_9 = arith.constant 0 : i32
    %dma_start3A_10 = arith.constant 0 : i32
    %dma_start3A_11 = tpu.memref_slice %arg6[%dma_start3A_6, %dma_start3A_7, %dma_start3A_9, %dma_start3A_10] : memref<2x16x50x32xf32, #tpu.memory_space<vmem>> -> memref<1x1x50x32xf32, #tpu.memory_space<vmem>>
    %dma_start3A_12 = tpu.memref_squeeze %dma_start3A_11 : memref<1x1x50x32xf32, #tpu.memory_space<vmem>> -> memref<50x32xf32, #tpu.memory_space<vmem>>
    %dma_start3A_13 = arith.constant 0 : i32
    %dma_start3A_14 = tpu.memref_slice %arg5[%dma_start3A, %dma_start3A_5, %dma_start3A_13] : memref<2x16x50xi32, #tpu.memory_space<vmem>> -> memref<1x1x50xi32, #tpu.memory_space<vmem>>
    %dma_start3A_15 = tpu.memref_squeeze %dma_start3A_14 : memref<1x1x50xi32, #tpu.memory_space<vmem>> -> memref<50xi32, #tpu.memory_space<vmem>>
    %dma_start3A_16 = arith.constant 0 : i32
    %dma_start3A_17 = arith.constant 0 : i32
    %dma_start3A_18 = tpu.memref_slice %arg2[%dma_start3A_16, %dma_start3A_17] : memref<1000000x32xf32, #tpu.memory_space<hbm>> -> memref<1000000x32xf32, #tpu.memory_space<hbm>>
    %dma_start3A_19 = tpu.memref_slice %arg7[%dma_start3A_8] : memref<2x!tpu.dma_semaphore, #tpu.memory_space<semaphore_mem>> -> memref<1x!tpu.dma_semaphore, #tpu.memory_space<semaphore_mem>>
    %dma_start3A_20 = tpu.memref_squeeze %dma_start3A_19 : memref<1x!tpu.dma_semaphore, #tpu.memory_space<semaphore_mem>> -> memref<!tpu.dma_semaphore, #tpu.memory_space<semaphore_mem>>
    tpu.enqueue_indirect_dma source(%dma_start3A_18 : memref<1000000x32xf32, #tpu.memory_space<hbm>>) target(%dma_start3A_12 : memref<50x32xf32, #tpu.memory_space<vmem>>) offsets(%dma_start3A_15 : memref<50xi32, #tpu.memory_space<vmem>>) semaphore(%dma_start3A_20 : memref<!tpu.dma_semaphore, #tpu.memory_space<semaphore_mem>>)
    %dma_start3A_21 = arith.constant 0 : i32
    %dma_start3A_22 = arith.constant 1 : i32
    %dma_start3A_23 = arith.constant 0 : i32
    %dma_start3A_24 = arith.constant 1 : i32
    %dma_start3A_25 = arith.constant 0 : i32
    %dma_start3A_26 = arith.constant 0 : i32
    %dma_start3A_27 = arith.constant 0 : i32
    %dma_start3A_28 = tpu.memref_slice %arg6[%dma_start3A_23, %dma_start3A_24, %dma_start3A_26, %dma_start3A_27] : memref<2x16x50x32xf32, #tpu.memory_space<vmem>> -> memref<1x1x50x32xf32, #tpu.memory_space<vmem>>
    %dma_start3A_29 = tpu.memref_squeeze %dma_start3A_28 : memref<1x1x50x32xf32, #tpu.memory_space<vmem>> -> memref<50x32xf32, #tpu.memory_space<vmem>>
    %dma_start3A_30 = arith.constant 0 : i32
    %dma_start3A_31 = tpu.memref_slice %arg5[%dma_start3A_21, %dma_start3A_22, %dma_start3A_30] : memref<2x16x50xi32, #tpu.memory_space<vmem>> -> memref<1x1x50xi32, #tpu.memory_space<vmem>>
    %dma_start3A_32 = tpu.memref_squeeze %dma_start3A_31 : memref<1x1x50xi32, #tpu.memory_space<vmem>> -> memref<50xi32, #tpu.memory_space<vmem>>
    %dma_start3A_33 = arith.constant 0 : i32
    %dma_start3A_34 = arith.constant 0 : i32
    %dma_start3A_35 = tpu.memref_slice %arg2[%dma_start3A_33, %dma_start3A_34] : memref<1000000x32xf32, #tpu.memory_space<hbm>> -> memref<1000000x32xf32, #tpu.memory_space<hbm>>
    %dma_start3A_36 = tpu.memref_slice %arg7[%dma_start3A_25] : memref<2x!tpu.dma_semaphore, #tpu.memory_space<semaphore_mem>> -> memref<1x!tpu.dma_semaphore, #tpu.memory_space<semaphore_mem>>
    %dma_start3A_37 = tpu.memref_squeeze %dma_start3A_36 : memref<1x!tpu.dma_semaphore, #tpu.memory_space<semaphore_mem>> -> memref<!tpu.dma_semaphore, #tpu.memory_space<semaphore_mem>>
    tpu.enqueue_indirect_dma source(%dma_start3A_35 : memref<1000000x32xf32, #tpu.memory_space<hbm>>) target(%dma_start3A_29 : memref<50x32xf32, #tpu.memory_space<vmem>>) offsets(%dma_start3A_32 : memref<50xi32, #tpu.memory_space<vmem>>) semaphore(%dma_start3A_37 : memref<!tpu.dma_semaphore, #tpu.memory_space<semaphore_mem>>)
    %dma_start3A_38 = arith.constant 0 : i32
    %dma_start3A_39 = arith.constant 2 : i32
    %dma_start3A_40 = arith.constant 0 : i32
    %dma_start3A_41 = arith.constant 2 : i32
    %dma_start3A_42 = arith.constant 0 : i32
    %dma_start3A_43 = arith.constant 0 : i32
    %dma_start3A_44 = arith.constant 0 : i32
    %dma_start3A_45 = tpu.memref_slice %arg6[%dma_start3A_40, %dma_start3A_41, %dma_start3A_43, %dma_start3A_44] : memref<2x16x50x32xf32, #tpu.memory_space<vmem>> -> memref<1x1x50x32xf32, #tpu.memory_space<vmem>>
    %dma_start3A_46 = tpu.memref_squeeze %dma_start3A_45 : memref<1x1x50x32xf32, #tpu.memory_space<vmem>> -> memref<50x32xf32, #tpu.memory_space<vmem>>
    %dma_start3A_47 = arith.constant 0 : i32
    %dma_start3A_48 = tpu.memref_slice %arg5[%dma_start3A_38, %dma_start3A_39, %dma_start3A_47] : memref<2x16x50xi32, #tpu.memory_space<vmem>> -> memref<1x1x50xi32, #tpu.memory_space<vmem>>
    %dma_start3A_49 = tpu.memref_squeeze %dma_start3A_48 : memref<1x1x50xi32, #tpu.memory_space<vmem>> -> memref<50xi32, #tpu.memory_space<vmem>>
    %dma_start3A_50 = arith.constant 0 : i32
    %dma_start3A_51 = arith.constant 0 : i32
    %dma_start3A_52 = tpu.memref_slice %arg2[%dma_start3A_50, %dma_start3A_51] : memref<1000000x32xf32, #tpu.memory_space<hbm>> -> memref<1000000x32xf32, #tpu.memory_space<hbm>>
    %dma_start3A_53 = tpu.memref_slice %arg7[%dma_start3A_42] : memref<2x!tpu.dma_semaphore, #tpu.memory_space<semaphore_mem>> -> memref<1x!tpu.dma_semaphore, #tpu.memory_space<semaphore_mem>>
    %dma_start3A_54 = tpu.memref_squeeze %dma_start3A_53 : memref<1x!tpu.dma_semaphore, #tpu.memory_space<semaphore_mem>> -> memref<!tpu.dma_semaphore, #tpu.memory_space<semaphore_mem>>
    tpu.enqueue_indirect_dma source(%dma_start3A_52 : memref<1000000x32xf32, #tpu.memory_space<hbm>>) target(%dma_start3A_46 : memref<50x32xf32, #tpu.memory_space<vmem>>) offsets(%dma_start3A_49 : memref<50xi32, #tpu.memory_space<vmem>>) semaphore(%dma_start3A_54 : memref<!tpu.dma_semaphore, #tpu.memory_space<semaphore_mem>>)
    %dma_start3A_55 = arith.constant 0 : i32
    %dma_start3A_56 = arith.constant 3 : i32
    %dma_start3A_57 = arith.constant 0 : i32
    %dma_start3A_58 = arith.constant 3 : i32
    %dma_start3A_59 = arith.constant 0 : i32
    %dma_start3A_60 = arith.constant 0 : i32
    %dma_start3A_61 = arith.constant 0 : i32
    %dma_start3A_62 = tpu.memref_slice %arg6[%dma_start3A_57, %dma_start3A_58, %dma_start3A_60, %dma_start3A_61] : memref<2x16x50x32xf32, #tpu.memory_space<vmem>> -> memref<1x1x50x32xf32, #tpu.memory_space<vmem>>
    %dma_start3A_63 = tpu.memref_squeeze %dma_start3A_62 : memref<1x1x50x32xf32, #tpu.memory_space<vmem>> -> memref<50x32xf32, #tpu.memory_space<vmem>>
    %dma_start3A_64 = arith.constant 0 : i32
    %dma_start3A_65 = tpu.memref_slice %arg5[%dma_start3A_55, %dma_start3A_56, %dma_start3A_64] : memref<2x16x50xi32, #tpu.memory_space<vmem>> -> memref<1x1x50xi32, #tpu.memory_space<vmem>>
    %dma_start3A_66 = tpu.memref_squeeze %dma_start3A_65 : memref<1x1x50xi32, #tpu.memory_space<vmem>> -> memref<50xi32, #tpu.memory_space<vmem>>
    %dma_start3A_67 = arith.constant 0 : i32
    %dma_start3A_68 = arith.constant 0 : i32
    %dma_start3A_69 = tpu.memref_slice %arg2[%dma_start3A_67, %dma_start3A_68] : memref<1000000x32xf32, #tpu.memory_space<hbm>> -> memref<1000000x32xf32, #tpu.memory_space<hbm>>
    %dma_start3A_70 = tpu.memref_slice %arg7[%dma_start3A_59] : memref<2x!tpu.dma_semaphore, #tpu.memory_space<semaphore_mem>> -> memref<1x!tpu.dma_semaphore, #tpu.memory_space<semaphore_mem>>
    %dma_start3A_71 = tpu.memref_squeeze %dma_start3A_70 : memref<1x!tpu.dma_semaphore, #tpu.memory_space<semaphore_mem>> -> memref<!tpu.dma_semaphore, #tpu.memory_space<semaphore_mem>>
    tpu.enqueue_indirect_dma source(%dma_start3A_69 : memref<1000000x32xf32, #tpu.memory_space<hbm>>) target(%dma_start3A_63 : memref<50x32xf32, #tpu.memory_space<vmem>>) offsets(%dma_start3A_66 : memref<50xi32, #tpu.memory_space<vmem>>) semaphore(%dma_start3A_71 : memref<!tpu.dma_semaphore, #tpu.memory_space<semaphore_mem>>)
    %dma_start3A_72 = arith.constant 0 : i32
    %dma_start3A_73 = arith.constant 4 : i32
    %dma_start3A_74 = arith.constant 0 : i32
    %dma_start3A_75 = arith.constant 4 : i32
    %dma_start3A_76 = arith.constant 0 : i32
    %dma_start3A_77 = arith.constant 0 : i32
    %dma_start3A_78 = arith.constant 0 : i32
    %dma_start3A_79 = tpu.memref_slice %arg6[%dma_start3A_74, %dma_start3A_75, %dma_start3A_77, %dma_start3A_78] : memref<2x16x50x32xf32, #tpu.memory_space<vmem>> -> memref<1x1x50x32xf32, #tpu.memory_space<vmem>>
    %dma_start3A_80 = tpu.memref_squeeze %dma_start3A_79 : memref<1x1x50x32xf32, #tpu.memory_space<vmem>> -> memref<50x32xf32, #tpu.memory_space<vmem>>
    %dma_start3A_81 = arith.constant 0 : i32
    %dma_start3A_82 = tpu.memref_slice %arg5[%dma_start3A_72, %dma_start3A_73, %dma_start3A_81] : memref<2x16x50xi32, #tpu.memory_space<vmem>> -> memref<1x1x50xi32, #tpu.memory_space<vmem>>
    %dma_start3A_83 = tpu.memref_squeeze %dma_start3A_82 : memref<1x1x50xi32, #tpu.memory_space<vmem>> -> memref<50xi32, #tpu.memory_space<vmem>>
    %dma_start3A_84 = arith.constant 0 : i32
    %dma_start3A_85 = arith.constant 0 : i32
    %dma_start3A_86 = tpu.memref_slice %arg2[%dma_start3A_84, %dma_start3A_85] : memref<1000000x32xf32, #tpu.memory_space<hbm>> -> memref<1000000x32xf32, #tpu.memory_space<hbm>>
    %dma_start3A_87 = tpu.memref_slice %arg7[%dma_start3A_76] : memref<2x!tpu.dma_semaphore, #tpu.memory_space<semaphore_mem>> -> memref<1x!tpu.dma_semaphore, #tpu.memory_space<semaphore_mem>>
    %dma_start3A_88 = tpu.memref_squeeze %dma_start3A_87 : memref<1x!tpu.dma_semaphore, #tpu.memory_space<semaphore_mem>> -> memref<!tpu.dma_semaphore, #tpu.memory_space<semaphore_mem>>
    tpu.enqueue_indirect_dma source(%dma_start3A_86 : memref<1000000x32xf32, #tpu.memory_space<hbm>>) target(%dma_start3A_80 : memref<50x32xf32, #tpu.memory_space<vmem>>) offsets(%dma_start3A_83 : memref<50xi32, #tpu.memory_space<vmem>>) semaphore(%dma_start3A_88 : memref<!tpu.dma_semaphore, #tpu.memory_space<semaphore_mem>>)
    %dma_start3A_89 = arith.constant 0 : i32
    %dma_start3A_90 = arith.constant 5 : i32
    %dma_start3A_91 = arith.constant 0 : i32
    %dma_start3A_92 = arith.constant 5 : i32
    %dma_start3A_93 = arith.constant 0 : i32
    %dma_start3A_94 = arith.constant 0 : i32
    %dma_start3A_95 = arith.constant 0 : i32
    %dma_start3A_96 = tpu.memref_slice %arg6[%dma_start3A_91, %dma_start3A_92, %dma_start3A_94, %dma_start3A_95] : memref<2x16x50x32xf32, #tpu.memory_space<vmem>> -> memref<1x1x50x32xf32, #tpu.memory_space<vmem>>
    %dma_start3A_97 = tpu.memref_squeeze %dma_start3A_96 : memref<1x1x50x32xf32, #tpu.memory_space<vmem>> -> memref<50x32xf32, #tpu.memory_space<vmem>>
    %dma_start3A_98 = arith.constant 0 : i32
    %dma_start3A_99 = tpu.memref_slice %arg5[%dma_start3A_89, %dma_start3A_90, %dma_start3A_98] : memref<2x16x50xi32, #tpu.memory_space<vmem>> -> memref<1x1x50xi32, #tpu.memory_space<vmem>>
    %dma_start3A_100 = tpu.memref_squeeze %dma_start3A_99 : memref<1x1x50xi32, #tpu.memory_space<vmem>> -> memref<50xi32, #tpu.memory_space<vmem>>
    %dma_start3A_101 = arith.constant 0 : i32
    %dma_start3A_102 = arith.constant 0 : i32
    %dma_start3A_103 = tpu.memref_slice %arg2[%dma_start3A_101, %dma_start3A_102] : memref<1000000x32xf32, #tpu.memory_space<hbm>> -> memref<1000000x32xf32, #tpu.memory_space<hbm>>
    %dma_start3A_104 = tpu.memref_slice %arg7[%dma_start3A_93] : memref<2x!tpu.dma_semaphore, #tpu.memory_space<semaphore_mem>> -> memref<1x!tpu.dma_semaphore, #tpu.memory_space<semaphore_mem>>
    %dma_start3A_105 = tpu.memref_squeeze %dma_start3A_104 : memref<1x!tpu.dma_semaphore, #tpu.memory_space<semaphore_mem>> -> memref<!tpu.dma_semaphore, #tpu.memory_space<semaphore_mem>>
    tpu.enqueue_indirect_dma source(%dma_start3A_103 : memref<1000000x32xf32, #tpu.memory_space<hbm>>) target(%dma_start3A_97 : memref<50x32xf32, #tpu.memory_space<vmem>>) offsets(%dma_start3A_100 : memref<50xi32, #tpu.memory_space<vmem>>) semaphore(%dma_start3A_105 : memref<!tpu.dma_semaphore, #tpu.memory_space<semaphore_mem>>)
    %dma_start3A_106 = arith.constant 0 : i32
    %dma_start3A_107 = arith.constant 6 : i32
    %dma_start3A_108 = arith.constant 0 : i32
    %dma_start3A_109 = arith.constant 6 : i32
    %dma_start3A_110 = arith.constant 0 : i32
    %dma_start3A_111 = arith.constant 0 : i32
    %dma_start3A_112 = arith.constant 0 : i32
    %dma_start3A_113 = tpu.memref_slice %arg6[%dma_start3A_108, %dma_start3A_109, %dma_start3A_111, %dma_start3A_112] : memref<2x16x50x32xf32, #tpu.memory_space<vmem>> -> memref<1x1x50x32xf32, #tpu.memory_space<vmem>>
    %dma_start3A_114 = tpu.memref_squeeze %dma_start3A_113 : memref<1x1x50x32xf32, #tpu.memory_space<vmem>> -> memref<50x32xf32, #tpu.memory_space<vmem>>
    %dma_start3A_115 = arith.constant 0 : i32
    %dma_start3A_116 = tpu.memref_slice %arg5[%dma_start3A_106, %dma_start3A_107, %dma_start3A_115] : memref<2x16x50xi32, #tpu.memory_space<vmem>> -> memref<1x1x50xi32, #tpu.memory_space<vmem>>
    %dma_start3A_117 = tpu.memref_squeeze %dma_start3A_116 : memref<1x1x50xi32, #tpu.memory_space<vmem>> -> memref<50xi32, #tpu.memory_space<vmem>>
    %dma_start3A_118 = arith.constant 0 : i32
    %dma_start3A_119 = arith.constant 0 : i32
    %dma_start3A_120 = tpu.memref_slice %arg2[%dma_start3A_118, %dma_start3A_119] : memref<1000000x32xf32, #tpu.memory_space<hbm>> -> memref<1000000x32xf32, #tpu.memory_space<hbm>>
    %dma_start3A_121 = tpu.memref_slice %arg7[%dma_start3A_110] : memref<2x!tpu.dma_semaphore, #tpu.memory_space<semaphore_mem>> -> memref<1x!tpu.dma_semaphore, #tpu.memory_space<semaphore_mem>>
    %dma_start3A_122 = tpu.memref_squeeze %dma_start3A_121 : memref<1x!tpu.dma_semaphore, #tpu.memory_space<semaphore_mem>> -> memref<!tpu.dma_semaphore, #tpu.memory_space<semaphore_mem>>
    tpu.enqueue_indirect_dma source(%dma_start3A_120 : memref<1000000x32xf32, #tpu.memory_space<hbm>>) target(%dma_start3A_114 : memref<50x32xf32, #tpu.memory_space<vmem>>) offsets(%dma_start3A_117 : memref<50xi32, #tpu.memory_space<vmem>>) semaphore(%dma_start3A_122 : memref<!tpu.dma_semaphore, #tpu.memory_space<semaphore_mem>>)
    %dma_start3A_123 = arith.constant 0 : i32
    %dma_start3A_124 = arith.constant 7 : i32
    %dma_start3A_125 = arith.constant 0 : i32
    %dma_start3A_126 = arith.constant 7 : i32
    %dma_start3A_127 = arith.constant 0 : i32
    %dma_start3A_128 = arith.constant 0 : i32
    %dma_start3A_129 = arith.constant 0 : i32
    %dma_start3A_130 = tpu.memref_slice %arg6[%dma_start3A_125, %dma_start3A_126, %dma_start3A_128, %dma_start3A_129] : memref<2x16x50x32xf32, #tpu.memory_space<vmem>> -> memref<1x1x50x32xf32, #tpu.memory_space<vmem>>
    %dma_start3A_131 = tpu.memref_squeeze %dma_start3A_130 : memref<1x1x50x32xf32, #tpu.memory_space<vmem>> -> memref<50x32xf32, #tpu.memory_space<vmem>>
    %dma_start3A_132 = arith.constant 0 : i32
    %dma_start3A_133 = tpu.memref_slice %arg5[%dma_start3A_123, %dma_start3A_124, %dma_start3A_132] : memref<2x16x50xi32, #tpu.memory_space<vmem>> -> memref<1x1x50xi32, #tpu.memory_space<vmem>>
    %dma_start3A_134 = tpu.memref_squeeze %dma_start3A_133 : memref<1x1x50xi32, #tpu.memory_space<vmem>> -> memref<50xi32, #tpu.memory_space<vmem>>
    %dma_start3A_135 = arith.constant 0 : i32
    %dma_start3A_136 = arith.constant 0 : i32
    %dma_start3A_137 = tpu.memref_slice %arg2[%dma_start3A_135, %dma_start3A_136] : memref<1000000x32xf32, #tpu.memory_space<hbm>> -> memref<1000000x32xf32, #tpu.memory_space<hbm>>
    %dma_start3A_138 = tpu.memref_slice %arg7[%dma_start3A_127] : memref<2x!tpu.dma_semaphore, #tpu.memory_space<semaphore_mem>> -> memref<1x!tpu.dma_semaphore, #tpu.memory_space<semaphore_mem>>
    %dma_start3A_139 = tpu.memref_squeeze %dma_start3A_138 : memref<1x!tpu.dma_semaphore, #tpu.memory_space<semaphore_mem>> -> memref<!tpu.dma_semaphore, #tpu.memory_space<semaphore_mem>>
    tpu.enqueue_indirect_dma source(%dma_start3A_137 : memref<1000000x32xf32, #tpu.memory_space<hbm>>) target(%dma_start3A_131 : memref<50x32xf32, #tpu.memory_space<vmem>>) offsets(%dma_start3A_134 : memref<50xi32, #tpu.memory_space<vmem>>) semaphore(%dma_start3A_139 : memref<!tpu.dma_semaphore, #tpu.memory_space<semaphore_mem>>)
    %dma_start3A_140 = arith.constant 0 : i32
    %dma_start3A_141 = arith.constant 8 : i32
    %dma_start3A_142 = arith.constant 0 : i32
    %dma_start3A_143 = arith.constant 8 : i32
    %dma_start3A_144 = arith.constant 0 : i32
    %dma_start3A_145 = arith.constant 0 : i32
    %dma_start3A_146 = arith.constant 0 : i32
    %dma_start3A_147 = tpu.memref_slice %arg6[%dma_start3A_142, %dma_start3A_143, %dma_start3A_145, %dma_start3A_146] : memref<2x16x50x32xf32, #tpu.memory_space<vmem>> -> memref<1x1x50x32xf32, #tpu.memory_space<vmem>>
    %dma_start3A_148 = tpu.memref_squeeze %dma_start3A_147 : memref<1x1x50x32xf32, #tpu.memory_space<vmem>> -> memref<50x32xf32, #tpu.memory_space<vmem>>
    %dma_start3A_149 = arith.constant 0 : i32
    %dma_start3A_150 = tpu.memref_slice %arg5[%dma_start3A_140, %dma_start3A_141, %dma_start3A_149] : memref<2x16x50xi32, #tpu.memory_space<vmem>> -> memref<1x1x50xi32, #tpu.memory_space<vmem>>
    %dma_start3A_151 = tpu.memref_squeeze %dma_start3A_150 : memref<1x1x50xi32, #tpu.memory_space<vmem>> -> memref<50xi32, #tpu.memory_space<vmem>>
    %dma_start3A_152 = arith.constant 0 : i32
    %dma_start3A_153 = arith.constant 0 : i32
    %dma_start3A_154 = tpu.memref_slice %arg2[%dma_start3A_152, %dma_start3A_153] : memref<1000000x32xf32, #tpu.memory_space<hbm>> -> memref<1000000x32xf32, #tpu.memory_space<hbm>>
    %dma_start3A_155 = tpu.memref_slice %arg7[%dma_start3A_144] : memref<2x!tpu.dma_semaphore, #tpu.memory_space<semaphore_mem>> -> memref<1x!tpu.dma_semaphore, #tpu.memory_space<semaphore_mem>>
    %dma_start3A_156 = tpu.memref_squeeze %dma_start3A_155 : memref<1x!tpu.dma_semaphore, #tpu.memory_space<semaphore_mem>> -> memref<!tpu.dma_semaphore, #tpu.memory_space<semaphore_mem>>
    tpu.enqueue_indirect_dma source(%dma_start3A_154 : memref<1000000x32xf32, #tpu.memory_space<hbm>>) target(%dma_start3A_148 : memref<50x32xf32, #tpu.memory_space<vmem>>) offsets(%dma_start3A_151 : memref<50xi32, #tpu.memory_space<vmem>>) semaphore(%dma_start3A_156 : memref<!tpu.dma_semaphore, #tpu.memory_space<semaphore_mem>>)
    %dma_start3A_157 = arith.constant 0 : i32
    %dma_start3A_158 = arith.constant 9 : i32
    %dma_start3A_159 = arith.constant 0 : i32
    %dma_start3A_160 = arith.constant 9 : i32
    %dma_start3A_161 = arith.constant 0 : i32
    %dma_start3A_162 = arith.constant 0 : i32
    %dma_start3A_163 = arith.constant 0 : i32
    %dma_start3A_164 = tpu.memref_slice %arg6[%dma_start3A_159, %dma_start3A_160, %dma_start3A_162, %dma_start3A_163] : memref<2x16x50x32xf32, #tpu.memory_space<vmem>> -> memref<1x1x50x32xf32, #tpu.memory_space<vmem>>
    %dma_start3A_165 = tpu.memref_squeeze %dma_start3A_164 : memref<1x1x50x32xf32, #tpu.memory_space<vmem>> -> memref<50x32xf32, #tpu.memory_space<vmem>>
    %dma_start3A_166 = arith.constant 0 : i32
    %dma_start3A_167 = tpu.memref_slice %arg5[%dma_start3A_157, %dma_start3A_158, %dma_start3A_166] : memref<2x16x50xi32, #tpu.memory_space<vmem>> -> memref<1x1x50xi32, #tpu.memory_space<vmem>>
    %dma_start3A_168 = tpu.memref_squeeze %dma_start3A_167 : memref<1x1x50xi32, #tpu.memory_space<vmem>> -> memref<50xi32, #tpu.memory_space<vmem>>
    %dma_start3A_169 = arith.constant 0 : i32
    %dma_start3A_170 = arith.constant 0 : i32
    %dma_start3A_171 = tpu.memref_slice %arg2[%dma_start3A_169, %dma_start3A_170] : memref<1000000x32xf32, #tpu.memory_space<hbm>> -> memref<1000000x32xf32, #tpu.memory_space<hbm>>
    %dma_start3A_172 = tpu.memref_slice %arg7[%dma_start3A_161] : memref<2x!tpu.dma_semaphore, #tpu.memory_space<semaphore_mem>> -> memref<1x!tpu.dma_semaphore, #tpu.memory_space<semaphore_mem>>
    %dma_start3A_173 = tpu.memref_squeeze %dma_start3A_172 : memref<1x!tpu.dma_semaphore, #tpu.memory_space<semaphore_mem>> -> memref<!tpu.dma_semaphore, #tpu.memory_space<semaphore_mem>>
    tpu.enqueue_indirect_dma source(%dma_start3A_171 : memref<1000000x32xf32, #tpu.memory_space<hbm>>) target(%dma_start3A_165 : memref<50x32xf32, #tpu.memory_space<vmem>>) offsets(%dma_start3A_168 : memref<50xi32, #tpu.memory_space<vmem>>) semaphore(%dma_start3A_173 : memref<!tpu.dma_semaphore, #tpu.memory_space<semaphore_mem>>)
    %dma_start3A_174 = arith.constant 0 : i32
    %dma_start3A_175 = arith.constant 10 : i32
    %dma_start3A_176 = arith.constant 0 : i32
    %dma_start3A_177 = arith.constant 10 : i32
    %dma_start3A_178 = arith.constant 0 : i32
    %dma_start3A_179 = arith.constant 0 : i32
    %dma_start3A_180 = arith.constant 0 : i32
    %dma_start3A_181 = tpu.memref_slice %arg6[%dma_start3A_176, %dma_start3A_177, %dma_start3A_179, %dma_start3A_180] : memref<2x16x50x32xf32, #tpu.memory_space<vmem>> -> memref<1x1x50x32xf32, #tpu.memory_space<vmem>>
    %dma_start3A_182 = tpu.memref_squeeze %dma_start3A_181 : memref<1x1x50x32xf32, #tpu.memory_space<vmem>> -> memref<50x32xf32, #tpu.memory_space<vmem>>
    %dma_start3A_183 = arith.constant 0 : i32
    %dma_start3A_184 = tpu.memref_slice %arg5[%dma_start3A_174, %dma_start3A_175, %dma_start3A_183] : memref<2x16x50xi32, #tpu.memory_space<vmem>> -> memref<1x1x50xi32, #tpu.memory_space<vmem>>
    %dma_start3A_185 = tpu.memref_squeeze %dma_start3A_184 : memref<1x1x50xi32, #tpu.memory_space<vmem>> -> memref<50xi32, #tpu.memory_space<vmem>>
    %dma_start3A_186 = arith.constant 0 : i32
    %dma_start3A_187 = arith.constant 0 : i32
    %dma_start3A_188 = tpu.memref_slice %arg2[%dma_start3A_186, %dma_start3A_187] : memref<1000000x32xf32, #tpu.memory_space<hbm>> -> memref<1000000x32xf32, #tpu.memory_space<hbm>>
    %dma_start3A_189 = tpu.memref_slice %arg7[%dma_start3A_178] : memref<2x!tpu.dma_semaphore, #tpu.memory_space<semaphore_mem>> -> memref<1x!tpu.dma_semaphore, #tpu.memory_space<semaphore_mem>>
    %dma_start3A_190 = tpu.memref_squeeze %dma_start3A_189 : memref<1x!tpu.dma_semaphore, #tpu.memory_space<semaphore_mem>> -> memref<!tpu.dma_semaphore, #tpu.memory_space<semaphore_mem>>
    tpu.enqueue_indirect_dma source(%dma_start3A_188 : memref<1000000x32xf32, #tpu.memory_space<hbm>>) target(%dma_start3A_182 : memref<50x32xf32, #tpu.memory_space<vmem>>) offsets(%dma_start3A_185 : memref<50xi32, #tpu.memory_space<vmem>>) semaphore(%dma_start3A_190 : memref<!tpu.dma_semaphore, #tpu.memory_space<semaphore_mem>>)
    %dma_start3A_191 = arith.constant 0 : i32
    %dma_start3A_192 = arith.constant 11 : i32
    %dma_start3A_193 = arith.constant 0 : i32
    %dma_start3A_194 = arith.constant 11 : i32
    %dma_start3A_195 = arith.constant 0 : i32
    %dma_start3A_196 = arith.constant 0 : i32
    %dma_start3A_197 = arith.constant 0 : i32
    %dma_start3A_198 = tpu.memref_slice %arg6[%dma_start3A_193, %dma_start3A_194, %dma_start3A_196, %dma_start3A_197] : memref<2x16x50x32xf32, #tpu.memory_space<vmem>> -> memref<1x1x50x32xf32, #tpu.memory_space<vmem>>
    %dma_start3A_199 = tpu.memref_squeeze %dma_start3A_198 : memref<1x1x50x32xf32, #tpu.memory_space<vmem>> -> memref<50x32xf32, #tpu.memory_space<vmem>>
    %dma_start3A_200 = arith.constant 0 : i32
    %dma_start3A_201 = tpu.memref_slice %arg5[%dma_start3A_191, %dma_start3A_192, %dma_start3A_200] : memref<2x16x50xi32, #tpu.memory_space<vmem>> -> memref<1x1x50xi32, #tpu.memory_space<vmem>>
    %dma_start3A_202 = tpu.memref_squeeze %dma_start3A_201 : memref<1x1x50xi32, #tpu.memory_space<vmem>> -> memref<50xi32, #tpu.memory_space<vmem>>
    %dma_start3A_203 = arith.constant 0 : i32
    %dma_start3A_204 = arith.constant 0 : i32
    %dma_start3A_205 = tpu.memref_slice %arg2[%dma_start3A_203, %dma_start3A_204] : memref<1000000x32xf32, #tpu.memory_space<hbm>> -> memref<1000000x32xf32, #tpu.memory_space<hbm>>
    %dma_start3A_206 = tpu.memref_slice %arg7[%dma_start3A_195] : memref<2x!tpu.dma_semaphore, #tpu.memory_space<semaphore_mem>> -> memref<1x!tpu.dma_semaphore, #tpu.memory_space<semaphore_mem>>
    %dma_start3A_207 = tpu.memref_squeeze %dma_start3A_206 : memref<1x!tpu.dma_semaphore, #tpu.memory_space<semaphore_mem>> -> memref<!tpu.dma_semaphore, #tpu.memory_space<semaphore_mem>>
    tpu.enqueue_indirect_dma source(%dma_start3A_205 : memref<1000000x32xf32, #tpu.memory_space<hbm>>) target(%dma_start3A_199 : memref<50x32xf32, #tpu.memory_space<vmem>>) offsets(%dma_start3A_202 : memref<50xi32, #tpu.memory_space<vmem>>) semaphore(%dma_start3A_207 : memref<!tpu.dma_semaphore, #tpu.memory_space<semaphore_mem>>)
    %dma_start3A_208 = arith.constant 0 : i32
    %dma_start3A_209 = arith.constant 12 : i32
    %dma_start3A_210 = arith.constant 0 : i32
    %dma_start3A_211 = arith.constant 12 : i32
    %dma_start3A_212 = arith.constant 0 : i32
    %dma_start3A_213 = arith.constant 0 : i32
    %dma_start3A_214 = arith.constant 0 : i32
    %dma_start3A_215 = tpu.memref_slice %arg6[%dma_start3A_210, %dma_start3A_211, %dma_start3A_213, %dma_start3A_214] : memref<2x16x50x32xf32, #tpu.memory_space<vmem>> -> memref<1x1x50x32xf32, #tpu.memory_space<vmem>>
    %dma_start3A_216 = tpu.memref_squeeze %dma_start3A_215 : memref<1x1x50x32xf32, #tpu.memory_space<vmem>> -> memref<50x32xf32, #tpu.memory_space<vmem>>
    %dma_start3A_217 = arith.constant 0 : i32
    %dma_start3A_218 = tpu.memref_slice %arg5[%dma_start3A_208, %dma_start3A_209, %dma_start3A_217] : memref<2x16x50xi32, #tpu.memory_space<vmem>> -> memref<1x1x50xi32, #tpu.memory_space<vmem>>
    %dma_start3A_219 = tpu.memref_squeeze %dma_start3A_218 : memref<1x1x50xi32, #tpu.memory_space<vmem>> -> memref<50xi32, #tpu.memory_space<vmem>>
    %dma_start3A_220 = arith.constant 0 : i32
    %dma_start3A_221 = arith.constant 0 : i32
    %dma_start3A_222 = tpu.memref_slice %arg2[%dma_start3A_220, %dma_start3A_221] : memref<1000000x32xf32, #tpu.memory_space<hbm>> -> memref<1000000x32xf32, #tpu.memory_space<hbm>>
    %dma_start3A_223 = tpu.memref_slice %arg7[%dma_start3A_212] : memref<2x!tpu.dma_semaphore, #tpu.memory_space<semaphore_mem>> -> memref<1x!tpu.dma_semaphore, #tpu.memory_space<semaphore_mem>>
    %dma_start3A_224 = tpu.memref_squeeze %dma_start3A_223 : memref<1x!tpu.dma_semaphore, #tpu.memory_space<semaphore_mem>> -> memref<!tpu.dma_semaphore, #tpu.memory_space<semaphore_mem>>
    tpu.enqueue_indirect_dma source(%dma_start3A_222 : memref<1000000x32xf32, #tpu.memory_space<hbm>>) target(%dma_start3A_216 : memref<50x32xf32, #tpu.memory_space<vmem>>) offsets(%dma_start3A_219 : memref<50xi32, #tpu.memory_space<vmem>>) semaphore(%dma_start3A_224 : memref<!tpu.dma_semaphore, #tpu.memory_space<semaphore_mem>>)
    %dma_start3A_225 = arith.constant 0 : i32
    %dma_start3A_226 = arith.constant 13 : i32
    %dma_start3A_227 = arith.constant 0 : i32
    %dma_start3A_228 = arith.constant 13 : i32
    %dma_start3A_229 = arith.constant 0 : i32
    %dma_start3A_230 = arith.constant 0 : i32
    %dma_start3A_231 = arith.constant 0 : i32
    %dma_start3A_232 = tpu.memref_slice %arg6[%dma_start3A_227, %dma_start3A_228, %dma_start3A_230, %dma_start3A_231] : memref<2x16x50x32xf32, #tpu.memory_space<vmem>> -> memref<1x1x50x32xf32, #tpu.memory_space<vmem>>
    %dma_start3A_233 = tpu.memref_squeeze %dma_start3A_232 : memref<1x1x50x32xf32, #tpu.memory_space<vmem>> -> memref<50x32xf32, #tpu.memory_space<vmem>>
    %dma_start3A_234 = arith.constant 0 : i32
    %dma_start3A_235 = tpu.memref_slice %arg5[%dma_start3A_225, %dma_start3A_226, %dma_start3A_234] : memref<2x16x50xi32, #tpu.memory_space<vmem>> -> memref<1x1x50xi32, #tpu.memory_space<vmem>>
    %dma_start3A_236 = tpu.memref_squeeze %dma_start3A_235 : memref<1x1x50xi32, #tpu.memory_space<vmem>> -> memref<50xi32, #tpu.memory_space<vmem>>
    %dma_start3A_237 = arith.constant 0 : i32
    %dma_start3A_238 = arith.constant 0 : i32
    %dma_start3A_239 = tpu.memref_slice %arg2[%dma_start3A_237, %dma_start3A_238] : memref<1000000x32xf32, #tpu.memory_space<hbm>> -> memref<1000000x32xf32, #tpu.memory_space<hbm>>
    %dma_start3A_240 = tpu.memref_slice %arg7[%dma_start3A_229] : memref<2x!tpu.dma_semaphore, #tpu.memory_space<semaphore_mem>> -> memref<1x!tpu.dma_semaphore, #tpu.memory_space<semaphore_mem>>
    %dma_start3A_241 = tpu.memref_squeeze %dma_start3A_240 : memref<1x!tpu.dma_semaphore, #tpu.memory_space<semaphore_mem>> -> memref<!tpu.dma_semaphore, #tpu.memory_space<semaphore_mem>>
    tpu.enqueue_indirect_dma source(%dma_start3A_239 : memref<1000000x32xf32, #tpu.memory_space<hbm>>) target(%dma_start3A_233 : memref<50x32xf32, #tpu.memory_space<vmem>>) offsets(%dma_start3A_236 : memref<50xi32, #tpu.memory_space<vmem>>) semaphore(%dma_start3A_241 : memref<!tpu.dma_semaphore, #tpu.memory_space<semaphore_mem>>)
    %dma_start3A_242 = arith.constant 0 : i32
    %dma_start3A_243 = arith.constant 14 : i32
    %dma_start3A_244 = arith.constant 0 : i32
    %dma_start3A_245 = arith.constant 14 : i32
    %dma_start3A_246 = arith.constant 0 : i32
    %dma_start3A_247 = arith.constant 0 : i32
    %dma_start3A_248 = arith.constant 0 : i32
    %dma_start3A_249 = tpu.memref_slice %arg6[%dma_start3A_244, %dma_start3A_245, %dma_start3A_247, %dma_start3A_248] : memref<2x16x50x32xf32, #tpu.memory_space<vmem>> -> memref<1x1x50x32xf32, #tpu.memory_space<vmem>>
    %dma_start3A_250 = tpu.memref_squeeze %dma_start3A_249 : memref<1x1x50x32xf32, #tpu.memory_space<vmem>> -> memref<50x32xf32, #tpu.memory_space<vmem>>
    %dma_start3A_251 = arith.constant 0 : i32
    %dma_start3A_252 = tpu.memref_slice %arg5[%dma_start3A_242, %dma_start3A_243, %dma_start3A_251] : memref<2x16x50xi32, #tpu.memory_space<vmem>> -> memref<1x1x50xi32, #tpu.memory_space<vmem>>
    %dma_start3A_253 = tpu.memref_squeeze %dma_start3A_252 : memref<1x1x50xi32, #tpu.memory_space<vmem>> -> memref<50xi32, #tpu.memory_space<vmem>>
    %dma_start3A_254 = arith.constant 0 : i32
    %dma_start3A_255 = arith.constant 0 : i32
    %dma_start3A_256 = tpu.memref_slice %arg2[%dma_start3A_254, %dma_start3A_255] : memref<1000000x32xf32, #tpu.memory_space<hbm>> -> memref<1000000x32xf32, #tpu.memory_space<hbm>>
    %dma_start3A_257 = tpu.memref_slice %arg7[%dma_start3A_246] : memref<2x!tpu.dma_semaphore, #tpu.memory_space<semaphore_mem>> -> memref<1x!tpu.dma_semaphore, #tpu.memory_space<semaphore_mem>>
    %dma_start3A_258 = tpu.memref_squeeze %dma_start3A_257 : memref<1x!tpu.dma_semaphore, #tpu.memory_space<semaphore_mem>> -> memref<!tpu.dma_semaphore, #tpu.memory_space<semaphore_mem>>
    tpu.enqueue_indirect_dma source(%dma_start3A_256 : memref<1000000x32xf32, #tpu.memory_space<hbm>>) target(%dma_start3A_250 : memref<50x32xf32, #tpu.memory_space<vmem>>) offsets(%dma_start3A_253 : memref<50xi32, #tpu.memory_space<vmem>>) semaphore(%dma_start3A_258 : memref<!tpu.dma_semaphore, #tpu.memory_space<semaphore_mem>>)
    %dma_start3A_259 = arith.constant 0 : i32
    %dma_start3A_260 = arith.constant 15 : i32
    %dma_start3A_261 = arith.constant 0 : i32
    %dma_start3A_262 = arith.constant 15 : i32
    %dma_start3A_263 = arith.constant 0 : i32
    %dma_start3A_264 = arith.constant 0 : i32
    %dma_start3A_265 = arith.constant 0 : i32
    %dma_start3A_266 = tpu.memref_slice %arg6[%dma_start3A_261, %dma_start3A_262, %dma_start3A_264, %dma_start3A_265] : memref<2x16x50x32xf32, #tpu.memory_space<vmem>> -> memref<1x1x50x32xf32, #tpu.memory_space<vmem>>
    %dma_start3A_267 = tpu.memref_squeeze %dma_start3A_266 : memref<1x1x50x32xf32, #tpu.memory_space<vmem>> -> memref<50x32xf32, #tpu.memory_space<vmem>>
    %dma_start3A_268 = arith.constant 0 : i32
    %dma_start3A_269 = tpu.memref_slice %arg5[%dma_start3A_259, %dma_start3A_260, %dma_start3A_268] : memref<2x16x50xi32, #tpu.memory_space<vmem>> -> memref<1x1x50xi32, #tpu.memory_space<vmem>>
    %dma_start3A_270 = tpu.memref_squeeze %dma_start3A_269 : memref<1x1x50xi32, #tpu.memory_space<vmem>> -> memref<50xi32, #tpu.memory_space<vmem>>
    %dma_start3A_271 = arith.constant 0 : i32
    %dma_start3A_272 = arith.constant 0 : i32
    %dma_start3A_273 = tpu.memref_slice %arg2[%dma_start3A_271, %dma_start3A_272] : memref<1000000x32xf32, #tpu.memory_space<hbm>> -> memref<1000000x32xf32, #tpu.memory_space<hbm>>
    %dma_start3A_274 = tpu.memref_slice %arg7[%dma_start3A_263] : memref<2x!tpu.dma_semaphore, #tpu.memory_space<semaphore_mem>> -> memref<1x!tpu.dma_semaphore, #tpu.memory_space<semaphore_mem>>
    %dma_start3A_275 = tpu.memref_squeeze %dma_start3A_274 : memref<1x!tpu.dma_semaphore, #tpu.memory_space<semaphore_mem>> -> memref<!tpu.dma_semaphore, #tpu.memory_space<semaphore_mem>>
    tpu.enqueue_indirect_dma source(%dma_start3A_273 : memref<1000000x32xf32, #tpu.memory_space<hbm>>) target(%dma_start3A_267 : memref<50x32xf32, #tpu.memory_space<vmem>>) offsets(%dma_start3A_270 : memref<50xi32, #tpu.memory_space<vmem>>) semaphore(%dma_start3A_275 : memref<!tpu.dma_semaphore, #tpu.memory_space<semaphore_mem>>)
    %scan3A = arith.constant 0 : i32
    %scan3A_276 = arith.constant 0 : i32
    %scan3A_277 = arith.constant 32 : i32
    %scan3A_278 = arith.addi %scan3A_276, %scan3A_277 : i32
    %scan3A_279 = arith.constant 1 : i32
    scf.for %scan3A_324 = %scan3A_276 to %scan3A_278 step %scan3A_279  : i32 {
      %rem3A = arith.constant 2 : i32
      %rem3A_325 = arith.remsi %scan3A_324, %rem3A : i32
      %sub3A = arith.constant 1 : i32
      %sub3A_326 = arith.subi %sub3A, %rem3A_325 : i32
      %add3A_327 = arith.constant 1 : i32
      %add3A_328 = arith.addi %scan3A_324, %add3A_327 : i32
      %lt3A = arith.constant 32 : i32
      %lt3A_329 = arith.cmpi slt, %add3A_328, %lt3A : i32
      %convert_element_type3A = arith.extui %lt3A_329 : i1 to i32
      %cond3A = arith.constant 0 : i32
      %cond3A_330 = arith.cmpi ne, %convert_element_type3A, %cond3A : i32
      scf.if %cond3A_330 {
        %ge3A = arith.constant 1 : i32
        %ge3A_372 = arith.cmpi sge, %scan3A_324, %ge3A : i32
        %convert_element_type3A_373 = arith.extui %ge3A_372 : i1 to i32
        %cond3A_374 = arith.constant 0 : i32
        %cond3A_375 = arith.cmpi ne, %convert_element_type3A_373, %cond3A_374 : i32
        scf.if %cond3A_375 {
          %dma_wait3A_605 = arith.constant 0 : i32
          %dma_wait3A_606 = arith.constant 0 : i32
          %dma_wait3A_607 = arith.constant 0 : i32
          %dma_wait3A_608 = tpu.memref_slice %arg6[%sub3A_326, %dma_wait3A_605, %dma_wait3A_606, %dma_wait3A_607] : memref<2x16x50x32xf32, #tpu.memory_space<vmem>> -> memref<1x16x50x32xf32, #tpu.memory_space<vmem>>
          %dma_wait3A_609 = tpu.memref_squeeze %dma_wait3A_608 : memref<1x16x50x32xf32, #tpu.memory_space<vmem>> -> memref<16x50x32xf32, #tpu.memory_space<vmem>>
          %dma_wait3A_610 = arith.constant 0 : i32
          %dma_wait3A_611 = arith.constant 0 : i32
          %dma_wait3A_612 = arith.constant 0 : i32
          %dma_wait3A_613 = tpu.memref_slice %arg4[%dma_wait3A_610, %dma_wait3A_611, %dma_wait3A_612] : memref<16384x50x32xf32, #tpu.memory_space<hbm>> -> memref<16x50x32xf32, #tpu.memory_space<hbm>>
          %dma_wait3A_614 = tpu.memref_slice %arg8[%sub3A_326] : memref<2x!tpu.dma_semaphore, #tpu.memory_space<semaphore_mem>> -> memref<1x!tpu.dma_semaphore, #tpu.memory_space<semaphore_mem>>
          %dma_wait3A_615 = tpu.memref_squeeze %dma_wait3A_614 : memref<1x!tpu.dma_semaphore, #tpu.memory_space<semaphore_mem>> -> memref<!tpu.dma_semaphore, #tpu.memory_space<semaphore_mem>>
          %dma_wait3A_616 = arith.constant 0 : i32
          %dma_wait3A_617 = arith.constant 0 : i32
          %dma_wait3A_618 = arith.constant 0 : i32
          %dma_wait3A_619 = tpu.memref_slice %arg4[%dma_wait3A_616, %dma_wait3A_617, %dma_wait3A_618] : memref<16384x50x32xf32, #tpu.memory_space<hbm>> -> memref<16x50x32xf32, #tpu.memory_space<hbm>>
          %dma_wait3A_620 = arith.constant 0 : i32
          %dma_wait3A_621 = arith.constant 0 : i32
          %dma_wait3A_622 = arith.constant 0 : i32
          %dma_wait3A_623 = tpu.memref_slice %arg6[%sub3A_326, %dma_wait3A_620, %dma_wait3A_621, %dma_wait3A_622] : memref<2x16x50x32xf32, #tpu.memory_space<vmem>> -> memref<1x16x50x32xf32, #tpu.memory_space<vmem>>
          %dma_wait3A_624 = tpu.memref_squeeze %dma_wait3A_623 : memref<1x16x50x32xf32, #tpu.memory_space<vmem>> -> memref<16x50x32xf32, #tpu.memory_space<vmem>>
          tpu.wait_dma2 semaphore(%dma_wait3A_615 : memref<!tpu.dma_semaphore, #tpu.memory_space<semaphore_mem>>) src(%dma_wait3A_624 : memref<16x50x32xf32, #tpu.memory_space<vmem>>) dst(%dma_wait3A_619 : memref<16x50x32xf32, #tpu.memory_space<hbm>>)
        } else {
        }
        %add3A_376 = arith.constant 1 : i32
        %add3A_377 = arith.addi %scan3A_324, %add3A_376 : i32
        %mul3A_378 = arith.constant 16 : i32
        %mul3A_379 = arith.muli %add3A_377, %mul3A_378 : i32
        %add3A_380 = arith.addi %mul3A_2, %mul3A_379 : i32
        "tpu.region"() ({
          %run_scoped3A_605 = tpu.sem_alloc : memref<!tpu.dma_semaphore, #tpu.memory_space<semaphore_mem>>
          %dma_start3A_606 = arith.constant 0 : i32
          %dma_start3A_607 = arith.constant 0 : i32
          %dma_start3A_608 = tpu.memref_slice %arg5[%sub3A_326, %dma_start3A_606, %dma_start3A_607] : memref<2x16x50xi32, #tpu.memory_space<vmem>> -> memref<1x16x50xi32, #tpu.memory_space<vmem>>
          %dma_start3A_609 = tpu.memref_squeeze %dma_start3A_608 : memref<1x16x50xi32, #tpu.memory_space<vmem>> -> memref<16x50xi32, #tpu.memory_space<vmem>>
          %dma_start3A_610 = arith.constant 0 : i32
          %dma_start3A_611 = tpu.memref_slice %arg3[%add3A_380, %dma_start3A_610] : memref<16384x50xi32, #tpu.memory_space<hbm>> -> memref<16x50xi32, #tpu.memory_space<hbm>>
          %dma_start3A_612 = arith.constant 0 : i32
          %dma_start3A_613 = arith.constant 0 : i32
          %dma_start3A_614 = tpu.memref_slice %arg5[%sub3A_326, %dma_start3A_612, %dma_start3A_613] : memref<2x16x50xi32, #tpu.memory_space<vmem>> -> memref<1x16x50xi32, #tpu.memory_space<vmem>>
          %dma_start3A_615 = tpu.memref_squeeze %dma_start3A_614 : memref<1x16x50xi32, #tpu.memory_space<vmem>> -> memref<16x50xi32, #tpu.memory_space<vmem>>
          %dma_start3A_616 = arith.constant 0 : i32
          %dma_start3A_617 = tpu.memref_slice %arg3[%add3A_380, %dma_start3A_616] : memref<16384x50xi32, #tpu.memory_space<hbm>> -> memref<16x50xi32, #tpu.memory_space<hbm>>
          tpu.enqueue_dma source(%dma_start3A_617 : memref<16x50xi32, #tpu.memory_space<hbm>>) target(%dma_start3A_615 : memref<16x50xi32, #tpu.memory_space<vmem>>) target_semaphore(%run_scoped3A_605 : memref<!tpu.dma_semaphore, #tpu.memory_space<semaphore_mem>>)
          %dma_wait3A_618 = arith.constant 0 : i32
          %dma_wait3A_619 = arith.constant 0 : i32
          %dma_wait3A_620 = tpu.memref_slice %arg5[%sub3A_326, %dma_wait3A_618, %dma_wait3A_619] : memref<2x16x50xi32, #tpu.memory_space<vmem>> -> memref<1x16x50xi32, #tpu.memory_space<vmem>>
          %dma_wait3A_621 = tpu.memref_squeeze %dma_wait3A_620 : memref<1x16x50xi32, #tpu.memory_space<vmem>> -> memref<16x50xi32, #tpu.memory_space<vmem>>
          %dma_wait3A_622 = arith.constant 0 : i32
          %dma_wait3A_623 = tpu.memref_slice %arg3[%add3A_380, %dma_wait3A_622] : memref<16384x50xi32, #tpu.memory_space<hbm>> -> memref<16x50xi32, #tpu.memory_space<hbm>>
          %dma_wait3A_624 = arith.constant 0 : i32
          %dma_wait3A_625 = arith.constant 0 : i32
          %dma_wait3A_626 = tpu.memref_slice %arg5[%sub3A_326, %dma_wait3A_624, %dma_wait3A_625] : memref<2x16x50xi32, #tpu.memory_space<vmem>> -> memref<1x16x50xi32, #tpu.memory_space<vmem>>
          %dma_wait3A_627 = tpu.memref_squeeze %dma_wait3A_626 : memref<1x16x50xi32, #tpu.memory_space<vmem>> -> memref<16x50xi32, #tpu.memory_space<vmem>>
          %dma_wait3A_628 = arith.constant 0 : i32
          %dma_wait3A_629 = tpu.memref_slice %arg3[%add3A_380, %dma_wait3A_628] : memref<16384x50xi32, #tpu.memory_space<hbm>> -> memref<16x50xi32, #tpu.memory_space<hbm>>
          tpu.wait_dma2 semaphore(%run_scoped3A_605 : memref<!tpu.dma_semaphore, #tpu.memory_space<semaphore_mem>>) src(%dma_wait3A_629 : memref<16x50xi32, #tpu.memory_space<hbm>>) dst(%dma_wait3A_627 : memref<16x50xi32, #tpu.memory_space<vmem>>)
          tpu.yield
        }) : () -> ()
        %dma_start3A_381 = arith.constant 0 : i32
        %dma_start3A_382 = arith.constant 0 : i32
        %dma_start3A_383 = arith.constant 0 : i32
        %dma_start3A_384 = arith.constant 0 : i32
        %dma_start3A_385 = tpu.memref_slice %arg6[%sub3A_326, %dma_start3A_382, %dma_start3A_383, %dma_start3A_384] : memref<2x16x50x32xf32, #tpu.memory_space<vmem>> -> memref<1x1x50x32xf32, #tpu.memory_space<vmem>>
        %dma_start3A_386 = tpu.memref_squeeze %dma_start3A_385 : memref<1x1x50x32xf32, #tpu.memory_space<vmem>> -> memref<50x32xf32, #tpu.memory_space<vmem>>
        %dma_start3A_387 = arith.constant 0 : i32
        %dma_start3A_388 = tpu.memref_slice %arg5[%sub3A_326, %dma_start3A_381, %dma_start3A_387] : memref<2x16x50xi32, #tpu.memory_space<vmem>> -> memref<1x1x50xi32, #tpu.memory_space<vmem>>
        %dma_start3A_389 = tpu.memref_squeeze %dma_start3A_388 : memref<1x1x50xi32, #tpu.memory_space<vmem>> -> memref<50xi32, #tpu.memory_space<vmem>>
        %dma_start3A_390 = arith.constant 0 : i32
        %dma_start3A_391 = arith.constant 0 : i32
        %dma_start3A_392 = tpu.memref_slice %arg2[%dma_start3A_390, %dma_start3A_391] : memref<1000000x32xf32, #tpu.memory_space<hbm>> -> memref<1000000x32xf32, #tpu.memory_space<hbm>>
        %dma_start3A_393 = tpu.memref_slice %arg7[%sub3A_326] : memref<2x!tpu.dma_semaphore, #tpu.memory_space<semaphore_mem>> -> memref<1x!tpu.dma_semaphore, #tpu.memory_space<semaphore_mem>>
        %dma_start3A_394 = tpu.memref_squeeze %dma_start3A_393 : memref<1x!tpu.dma_semaphore, #tpu.memory_space<semaphore_mem>> -> memref<!tpu.dma_semaphore, #tpu.memory_space<semaphore_mem>>
        tpu.enqueue_indirect_dma source(%dma_start3A_392 : memref<1000000x32xf32, #tpu.memory_space<hbm>>) target(%dma_start3A_386 : memref<50x32xf32, #tpu.memory_space<vmem>>) offsets(%dma_start3A_389 : memref<50xi32, #tpu.memory_space<vmem>>) semaphore(%dma_start3A_394 : memref<!tpu.dma_semaphore, #tpu.memory_space<semaphore_mem>>)
        %dma_start3A_395 = arith.constant 1 : i32
        %dma_start3A_396 = arith.constant 1 : i32
        %dma_start3A_397 = arith.constant 0 : i32
        %dma_start3A_398 = arith.constant 0 : i32
        %dma_start3A_399 = tpu.memref_slice %arg6[%sub3A_326, %dma_start3A_396, %dma_start3A_397, %dma_start3A_398] : memref<2x16x50x32xf32, #tpu.memory_space<vmem>> -> memref<1x1x50x32xf32, #tpu.memory_space<vmem>>
        %dma_start3A_400 = tpu.memref_squeeze %dma_start3A_399 : memref<1x1x50x32xf32, #tpu.memory_space<vmem>> -> memref<50x32xf32, #tpu.memory_space<vmem>>
        %dma_start3A_401 = arith.constant 0 : i32
        %dma_start3A_402 = tpu.memref_slice %arg5[%sub3A_326, %dma_start3A_395, %dma_start3A_401] : memref<2x16x50xi32, #tpu.memory_space<vmem>> -> memref<1x1x50xi32, #tpu.memory_space<vmem>>
        %dma_start3A_403 = tpu.memref_squeeze %dma_start3A_402 : memref<1x1x50xi32, #tpu.memory_space<vmem>> -> memref<50xi32, #tpu.memory_space<vmem>>
        %dma_start3A_404 = arith.constant 0 : i32
        %dma_start3A_405 = arith.constant 0 : i32
        %dma_start3A_406 = tpu.memref_slice %arg2[%dma_start3A_404, %dma_start3A_405] : memref<1000000x32xf32, #tpu.memory_space<hbm>> -> memref<1000000x32xf32, #tpu.memory_space<hbm>>
        %dma_start3A_407 = tpu.memref_slice %arg7[%sub3A_326] : memref<2x!tpu.dma_semaphore, #tpu.memory_space<semaphore_mem>> -> memref<1x!tpu.dma_semaphore, #tpu.memory_space<semaphore_mem>>
        %dma_start3A_408 = tpu.memref_squeeze %dma_start3A_407 : memref<1x!tpu.dma_semaphore, #tpu.memory_space<semaphore_mem>> -> memref<!tpu.dma_semaphore, #tpu.memory_space<semaphore_mem>>
        tpu.enqueue_indirect_dma source(%dma_start3A_406 : memref<1000000x32xf32, #tpu.memory_space<hbm>>) target(%dma_start3A_400 : memref<50x32xf32, #tpu.memory_space<vmem>>) offsets(%dma_start3A_403 : memref<50xi32, #tpu.memory_space<vmem>>) semaphore(%dma_start3A_408 : memref<!tpu.dma_semaphore, #tpu.memory_space<semaphore_mem>>)
        %dma_start3A_409 = arith.constant 2 : i32
        %dma_start3A_410 = arith.constant 2 : i32
        %dma_start3A_411 = arith.constant 0 : i32
        %dma_start3A_412 = arith.constant 0 : i32
        %dma_start3A_413 = tpu.memref_slice %arg6[%sub3A_326, %dma_start3A_410, %dma_start3A_411, %dma_start3A_412] : memref<2x16x50x32xf32, #tpu.memory_space<vmem>> -> memref<1x1x50x32xf32, #tpu.memory_space<vmem>>
        %dma_start3A_414 = tpu.memref_squeeze %dma_start3A_413 : memref<1x1x50x32xf32, #tpu.memory_space<vmem>> -> memref<50x32xf32, #tpu.memory_space<vmem>>
        %dma_start3A_415 = arith.constant 0 : i32
        %dma_start3A_416 = tpu.memref_slice %arg5[%sub3A_326, %dma_start3A_409, %dma_start3A_415] : memref<2x16x50xi32, #tpu.memory_space<vmem>> -> memref<1x1x50xi32, #tpu.memory_space<vmem>>
        %dma_start3A_417 = tpu.memref_squeeze %dma_start3A_416 : memref<1x1x50xi32, #tpu.memory_space<vmem>> -> memref<50xi32, #tpu.memory_space<vmem>>
        %dma_start3A_418 = arith.constant 0 : i32
        %dma_start3A_419 = arith.constant 0 : i32
        %dma_start3A_420 = tpu.memref_slice %arg2[%dma_start3A_418, %dma_start3A_419] : memref<1000000x32xf32, #tpu.memory_space<hbm>> -> memref<1000000x32xf32, #tpu.memory_space<hbm>>
        %dma_start3A_421 = tpu.memref_slice %arg7[%sub3A_326] : memref<2x!tpu.dma_semaphore, #tpu.memory_space<semaphore_mem>> -> memref<1x!tpu.dma_semaphore, #tpu.memory_space<semaphore_mem>>
        %dma_start3A_422 = tpu.memref_squeeze %dma_start3A_421 : memref<1x!tpu.dma_semaphore, #tpu.memory_space<semaphore_mem>> -> memref<!tpu.dma_semaphore, #tpu.memory_space<semaphore_mem>>
        tpu.enqueue_indirect_dma source(%dma_start3A_420 : memref<1000000x32xf32, #tpu.memory_space<hbm>>) target(%dma_start3A_414 : memref<50x32xf32, #tpu.memory_space<vmem>>) offsets(%dma_start3A_417 : memref<50xi32, #tpu.memory_space<vmem>>) semaphore(%dma_start3A_422 : memref<!tpu.dma_semaphore, #tpu.memory_space<semaphore_mem>>)
        %dma_start3A_423 = arith.constant 3 : i32
        %dma_start3A_424 = arith.constant 3 : i32
        %dma_start3A_425 = arith.constant 0 : i32
        %dma_start3A_426 = arith.constant 0 : i32
        %dma_start3A_427 = tpu.memref_slice %arg6[%sub3A_326, %dma_start3A_424, %dma_start3A_425, %dma_start3A_426] : memref<2x16x50x32xf32, #tpu.memory_space<vmem>> -> memref<1x1x50x32xf32, #tpu.memory_space<vmem>>
        %dma_start3A_428 = tpu.memref_squeeze %dma_start3A_427 : memref<1x1x50x32xf32, #tpu.memory_space<vmem>> -> memref<50x32xf32, #tpu.memory_space<vmem>>
        %dma_start3A_429 = arith.constant 0 : i32
        %dma_start3A_430 = tpu.memref_slice %arg5[%sub3A_326, %dma_start3A_423, %dma_start3A_429] : memref<2x16x50xi32, #tpu.memory_space<vmem>> -> memref<1x1x50xi32, #tpu.memory_space<vmem>>
        %dma_start3A_431 = tpu.memref_squeeze %dma_start3A_430 : memref<1x1x50xi32, #tpu.memory_space<vmem>> -> memref<50xi32, #tpu.memory_space<vmem>>
        %dma_start3A_432 = arith.constant 0 : i32
        %dma_start3A_433 = arith.constant 0 : i32
        %dma_start3A_434 = tpu.memref_slice %arg2[%dma_start3A_432, %dma_start3A_433] : memref<1000000x32xf32, #tpu.memory_space<hbm>> -> memref<1000000x32xf32, #tpu.memory_space<hbm>>
        %dma_start3A_435 = tpu.memref_slice %arg7[%sub3A_326] : memref<2x!tpu.dma_semaphore, #tpu.memory_space<semaphore_mem>> -> memref<1x!tpu.dma_semaphore, #tpu.memory_space<semaphore_mem>>
        %dma_start3A_436 = tpu.memref_squeeze %dma_start3A_435 : memref<1x!tpu.dma_semaphore, #tpu.memory_space<semaphore_mem>> -> memref<!tpu.dma_semaphore, #tpu.memory_space<semaphore_mem>>
        tpu.enqueue_indirect_dma source(%dma_start3A_434 : memref<1000000x32xf32, #tpu.memory_space<hbm>>) target(%dma_start3A_428 : memref<50x32xf32, #tpu.memory_space<vmem>>) offsets(%dma_start3A_431 : memref<50xi32, #tpu.memory_space<vmem>>) semaphore(%dma_start3A_436 : memref<!tpu.dma_semaphore, #tpu.memory_space<semaphore_mem>>)
        %dma_start3A_437 = arith.constant 4 : i32
        %dma_start3A_438 = arith.constant 4 : i32
        %dma_start3A_439 = arith.constant 0 : i32
        %dma_start3A_440 = arith.constant 0 : i32
        %dma_start3A_441 = tpu.memref_slice %arg6[%sub3A_326, %dma_start3A_438, %dma_start3A_439, %dma_start3A_440] : memref<2x16x50x32xf32, #tpu.memory_space<vmem>> -> memref<1x1x50x32xf32, #tpu.memory_space<vmem>>
        %dma_start3A_442 = tpu.memref_squeeze %dma_start3A_441 : memref<1x1x50x32xf32, #tpu.memory_space<vmem>> -> memref<50x32xf32, #tpu.memory_space<vmem>>
        %dma_start3A_443 = arith.constant 0 : i32
        %dma_start3A_444 = tpu.memref_slice %arg5[%sub3A_326, %dma_start3A_437, %dma_start3A_443] : memref<2x16x50xi32, #tpu.memory_space<vmem>> -> memref<1x1x50xi32, #tpu.memory_space<vmem>>
        %dma_start3A_445 = tpu.memref_squeeze %dma_start3A_444 : memref<1x1x50xi32, #tpu.memory_space<vmem>> -> memref<50xi32, #tpu.memory_space<vmem>>
        %dma_start3A_446 = arith.constant 0 : i32
        %dma_start3A_447 = arith.constant 0 : i32
        %dma_start3A_448 = tpu.memref_slice %arg2[%dma_start3A_446, %dma_start3A_447] : memref<1000000x32xf32, #tpu.memory_space<hbm>> -> memref<1000000x32xf32, #tpu.memory_space<hbm>>
        %dma_start3A_449 = tpu.memref_slice %arg7[%sub3A_326] : memref<2x!tpu.dma_semaphore, #tpu.memory_space<semaphore_mem>> -> memref<1x!tpu.dma_semaphore, #tpu.memory_space<semaphore_mem>>
        %dma_start3A_450 = tpu.memref_squeeze %dma_start3A_449 : memref<1x!tpu.dma_semaphore, #tpu.memory_space<semaphore_mem>> -> memref<!tpu.dma_semaphore, #tpu.memory_space<semaphore_mem>>
        tpu.enqueue_indirect_dma source(%dma_start3A_448 : memref<1000000x32xf32, #tpu.memory_space<hbm>>) target(%dma_start3A_442 : memref<50x32xf32, #tpu.memory_space<vmem>>) offsets(%dma_start3A_445 : memref<50xi32, #tpu.memory_space<vmem>>) semaphore(%dma_start3A_450 : memref<!tpu.dma_semaphore, #tpu.memory_space<semaphore_mem>>)
        %dma_start3A_451 = arith.constant 5 : i32
        %dma_start3A_452 = arith.constant 5 : i32
        %dma_start3A_453 = arith.constant 0 : i32
        %dma_start3A_454 = arith.constant 0 : i32
        %dma_start3A_455 = tpu.memref_slice %arg6[%sub3A_326, %dma_start3A_452, %dma_start3A_453, %dma_start3A_454] : memref<2x16x50x32xf32, #tpu.memory_space<vmem>> -> memref<1x1x50x32xf32, #tpu.memory_space<vmem>>
        %dma_start3A_456 = tpu.memref_squeeze %dma_start3A_455 : memref<1x1x50x32xf32, #tpu.memory_space<vmem>> -> memref<50x32xf32, #tpu.memory_space<vmem>>
        %dma_start3A_457 = arith.constant 0 : i32
        %dma_start3A_458 = tpu.memref_slice %arg5[%sub3A_326, %dma_start3A_451, %dma_start3A_457] : memref<2x16x50xi32, #tpu.memory_space<vmem>> -> memref<1x1x50xi32, #tpu.memory_space<vmem>>
        %dma_start3A_459 = tpu.memref_squeeze %dma_start3A_458 : memref<1x1x50xi32, #tpu.memory_space<vmem>> -> memref<50xi32, #tpu.memory_space<vmem>>
        %dma_start3A_460 = arith.constant 0 : i32
        %dma_start3A_461 = arith.constant 0 : i32
        %dma_start3A_462 = tpu.memref_slice %arg2[%dma_start3A_460, %dma_start3A_461] : memref<1000000x32xf32, #tpu.memory_space<hbm>> -> memref<1000000x32xf32, #tpu.memory_space<hbm>>
        %dma_start3A_463 = tpu.memref_slice %arg7[%sub3A_326] : memref<2x!tpu.dma_semaphore, #tpu.memory_space<semaphore_mem>> -> memref<1x!tpu.dma_semaphore, #tpu.memory_space<semaphore_mem>>
        %dma_start3A_464 = tpu.memref_squeeze %dma_start3A_463 : memref<1x!tpu.dma_semaphore, #tpu.memory_space<semaphore_mem>> -> memref<!tpu.dma_semaphore, #tpu.memory_space<semaphore_mem>>
        tpu.enqueue_indirect_dma source(%dma_start3A_462 : memref<1000000x32xf32, #tpu.memory_space<hbm>>) target(%dma_start3A_456 : memref<50x32xf32, #tpu.memory_space<vmem>>) offsets(%dma_start3A_459 : memref<50xi32, #tpu.memory_space<vmem>>) semaphore(%dma_start3A_464 : memref<!tpu.dma_semaphore, #tpu.memory_space<semaphore_mem>>)
        %dma_start3A_465 = arith.constant 6 : i32
        %dma_start3A_466 = arith.constant 6 : i32
        %dma_start3A_467 = arith.constant 0 : i32
        %dma_start3A_468 = arith.constant 0 : i32
        %dma_start3A_469 = tpu.memref_slice %arg6[%sub3A_326, %dma_start3A_466, %dma_start3A_467, %dma_start3A_468] : memref<2x16x50x32xf32, #tpu.memory_space<vmem>> -> memref<1x1x50x32xf32, #tpu.memory_space<vmem>>
        %dma_start3A_470 = tpu.memref_squeeze %dma_start3A_469 : memref<1x1x50x32xf32, #tpu.memory_space<vmem>> -> memref<50x32xf32, #tpu.memory_space<vmem>>
        %dma_start3A_471 = arith.constant 0 : i32
        %dma_start3A_472 = tpu.memref_slice %arg5[%sub3A_326, %dma_start3A_465, %dma_start3A_471] : memref<2x16x50xi32, #tpu.memory_space<vmem>> -> memref<1x1x50xi32, #tpu.memory_space<vmem>>
        %dma_start3A_473 = tpu.memref_squeeze %dma_start3A_472 : memref<1x1x50xi32, #tpu.memory_space<vmem>> -> memref<50xi32, #tpu.memory_space<vmem>>
        %dma_start3A_474 = arith.constant 0 : i32
        %dma_start3A_475 = arith.constant 0 : i32
        %dma_start3A_476 = tpu.memref_slice %arg2[%dma_start3A_474, %dma_start3A_475] : memref<1000000x32xf32, #tpu.memory_space<hbm>> -> memref<1000000x32xf32, #tpu.memory_space<hbm>>
        %dma_start3A_477 = tpu.memref_slice %arg7[%sub3A_326] : memref<2x!tpu.dma_semaphore, #tpu.memory_space<semaphore_mem>> -> memref<1x!tpu.dma_semaphore, #tpu.memory_space<semaphore_mem>>
        %dma_start3A_478 = tpu.memref_squeeze %dma_start3A_477 : memref<1x!tpu.dma_semaphore, #tpu.memory_space<semaphore_mem>> -> memref<!tpu.dma_semaphore, #tpu.memory_space<semaphore_mem>>
        tpu.enqueue_indirect_dma source(%dma_start3A_476 : memref<1000000x32xf32, #tpu.memory_space<hbm>>) target(%dma_start3A_470 : memref<50x32xf32, #tpu.memory_space<vmem>>) offsets(%dma_start3A_473 : memref<50xi32, #tpu.memory_space<vmem>>) semaphore(%dma_start3A_478 : memref<!tpu.dma_semaphore, #tpu.memory_space<semaphore_mem>>)
        %dma_start3A_479 = arith.constant 7 : i32
        %dma_start3A_480 = arith.constant 7 : i32
        %dma_start3A_481 = arith.constant 0 : i32
        %dma_start3A_482 = arith.constant 0 : i32
        %dma_start3A_483 = tpu.memref_slice %arg6[%sub3A_326, %dma_start3A_480, %dma_start3A_481, %dma_start3A_482] : memref<2x16x50x32xf32, #tpu.memory_space<vmem>> -> memref<1x1x50x32xf32, #tpu.memory_space<vmem>>
        %dma_start3A_484 = tpu.memref_squeeze %dma_start3A_483 : memref<1x1x50x32xf32, #tpu.memory_space<vmem>> -> memref<50x32xf32, #tpu.memory_space<vmem>>
        %dma_start3A_485 = arith.constant 0 : i32
        %dma_start3A_486 = tpu.memref_slice %arg5[%sub3A_326, %dma_start3A_479, %dma_start3A_485] : memref<2x16x50xi32, #tpu.memory_space<vmem>> -> memref<1x1x50xi32, #tpu.memory_space<vmem>>
        %dma_start3A_487 = tpu.memref_squeeze %dma_start3A_486 : memref<1x1x50xi32, #tpu.memory_space<vmem>> -> memref<50xi32, #tpu.memory_space<vmem>>
        %dma_start3A_488 = arith.constant 0 : i32
        %dma_start3A_489 = arith.constant 0 : i32
        %dma_start3A_490 = tpu.memref_slice %arg2[%dma_start3A_488, %dma_start3A_489] : memref<1000000x32xf32, #tpu.memory_space<hbm>> -> memref<1000000x32xf32, #tpu.memory_space<hbm>>
        %dma_start3A_491 = tpu.memref_slice %arg7[%sub3A_326] : memref<2x!tpu.dma_semaphore, #tpu.memory_space<semaphore_mem>> -> memref<1x!tpu.dma_semaphore, #tpu.memory_space<semaphore_mem>>
        %dma_start3A_492 = tpu.memref_squeeze %dma_start3A_491 : memref<1x!tpu.dma_semaphore, #tpu.memory_space<semaphore_mem>> -> memref<!tpu.dma_semaphore, #tpu.memory_space<semaphore_mem>>
        tpu.enqueue_indirect_dma source(%dma_start3A_490 : memref<1000000x32xf32, #tpu.memory_space<hbm>>) target(%dma_start3A_484 : memref<50x32xf32, #tpu.memory_space<vmem>>) offsets(%dma_start3A_487 : memref<50xi32, #tpu.memory_space<vmem>>) semaphore(%dma_start3A_492 : memref<!tpu.dma_semaphore, #tpu.memory_space<semaphore_mem>>)
        %dma_start3A_493 = arith.constant 8 : i32
        %dma_start3A_494 = arith.constant 8 : i32
        %dma_start3A_495 = arith.constant 0 : i32
        %dma_start3A_496 = arith.constant 0 : i32
        %dma_start3A_497 = tpu.memref_slice %arg6[%sub3A_326, %dma_start3A_494, %dma_start3A_495, %dma_start3A_496] : memref<2x16x50x32xf32, #tpu.memory_space<vmem>> -> memref<1x1x50x32xf32, #tpu.memory_space<vmem>>
        %dma_start3A_498 = tpu.memref_squeeze %dma_start3A_497 : memref<1x1x50x32xf32, #tpu.memory_space<vmem>> -> memref<50x32xf32, #tpu.memory_space<vmem>>
        %dma_start3A_499 = arith.constant 0 : i32
        %dma_start3A_500 = tpu.memref_slice %arg5[%sub3A_326, %dma_start3A_493, %dma_start3A_499] : memref<2x16x50xi32, #tpu.memory_space<vmem>> -> memref<1x1x50xi32, #tpu.memory_space<vmem>>
        %dma_start3A_501 = tpu.memref_squeeze %dma_start3A_500 : memref<1x1x50xi32, #tpu.memory_space<vmem>> -> memref<50xi32, #tpu.memory_space<vmem>>
        %dma_start3A_502 = arith.constant 0 : i32
        %dma_start3A_503 = arith.constant 0 : i32
        %dma_start3A_504 = tpu.memref_slice %arg2[%dma_start3A_502, %dma_start3A_503] : memref<1000000x32xf32, #tpu.memory_space<hbm>> -> memref<1000000x32xf32, #tpu.memory_space<hbm>>
        %dma_start3A_505 = tpu.memref_slice %arg7[%sub3A_326] : memref<2x!tpu.dma_semaphore, #tpu.memory_space<semaphore_mem>> -> memref<1x!tpu.dma_semaphore, #tpu.memory_space<semaphore_mem>>
        %dma_start3A_506 = tpu.memref_squeeze %dma_start3A_505 : memref<1x!tpu.dma_semaphore, #tpu.memory_space<semaphore_mem>> -> memref<!tpu.dma_semaphore, #tpu.memory_space<semaphore_mem>>
        tpu.enqueue_indirect_dma source(%dma_start3A_504 : memref<1000000x32xf32, #tpu.memory_space<hbm>>) target(%dma_start3A_498 : memref<50x32xf32, #tpu.memory_space<vmem>>) offsets(%dma_start3A_501 : memref<50xi32, #tpu.memory_space<vmem>>) semaphore(%dma_start3A_506 : memref<!tpu.dma_semaphore, #tpu.memory_space<semaphore_mem>>)
        %dma_start3A_507 = arith.constant 9 : i32
        %dma_start3A_508 = arith.constant 9 : i32
        %dma_start3A_509 = arith.constant 0 : i32
        %dma_start3A_510 = arith.constant 0 : i32
        %dma_start3A_511 = tpu.memref_slice %arg6[%sub3A_326, %dma_start3A_508, %dma_start3A_509, %dma_start3A_510] : memref<2x16x50x32xf32, #tpu.memory_space<vmem>> -> memref<1x1x50x32xf32, #tpu.memory_space<vmem>>
        %dma_start3A_512 = tpu.memref_squeeze %dma_start3A_511 : memref<1x1x50x32xf32, #tpu.memory_space<vmem>> -> memref<50x32xf32, #tpu.memory_space<vmem>>
        %dma_start3A_513 = arith.constant 0 : i32
        %dma_start3A_514 = tpu.memref_slice %arg5[%sub3A_326, %dma_start3A_507, %dma_start3A_513] : memref<2x16x50xi32, #tpu.memory_space<vmem>> -> memref<1x1x50xi32, #tpu.memory_space<vmem>>
        %dma_start3A_515 = tpu.memref_squeeze %dma_start3A_514 : memref<1x1x50xi32, #tpu.memory_space<vmem>> -> memref<50xi32, #tpu.memory_space<vmem>>
        %dma_start3A_516 = arith.constant 0 : i32
        %dma_start3A_517 = arith.constant 0 : i32
        %dma_start3A_518 = tpu.memref_slice %arg2[%dma_start3A_516, %dma_start3A_517] : memref<1000000x32xf32, #tpu.memory_space<hbm>> -> memref<1000000x32xf32, #tpu.memory_space<hbm>>
        %dma_start3A_519 = tpu.memref_slice %arg7[%sub3A_326] : memref<2x!tpu.dma_semaphore, #tpu.memory_space<semaphore_mem>> -> memref<1x!tpu.dma_semaphore, #tpu.memory_space<semaphore_mem>>
        %dma_start3A_520 = tpu.memref_squeeze %dma_start3A_519 : memref<1x!tpu.dma_semaphore, #tpu.memory_space<semaphore_mem>> -> memref<!tpu.dma_semaphore, #tpu.memory_space<semaphore_mem>>
        tpu.enqueue_indirect_dma source(%dma_start3A_518 : memref<1000000x32xf32, #tpu.memory_space<hbm>>) target(%dma_start3A_512 : memref<50x32xf32, #tpu.memory_space<vmem>>) offsets(%dma_start3A_515 : memref<50xi32, #tpu.memory_space<vmem>>) semaphore(%dma_start3A_520 : memref<!tpu.dma_semaphore, #tpu.memory_space<semaphore_mem>>)
        %dma_start3A_521 = arith.constant 10 : i32
        %dma_start3A_522 = arith.constant 10 : i32
        %dma_start3A_523 = arith.constant 0 : i32
        %dma_start3A_524 = arith.constant 0 : i32
        %dma_start3A_525 = tpu.memref_slice %arg6[%sub3A_326, %dma_start3A_522, %dma_start3A_523, %dma_start3A_524] : memref<2x16x50x32xf32, #tpu.memory_space<vmem>> -> memref<1x1x50x32xf32, #tpu.memory_space<vmem>>
        %dma_start3A_526 = tpu.memref_squeeze %dma_start3A_525 : memref<1x1x50x32xf32, #tpu.memory_space<vmem>> -> memref<50x32xf32, #tpu.memory_space<vmem>>
        %dma_start3A_527 = arith.constant 0 : i32
        %dma_start3A_528 = tpu.memref_slice %arg5[%sub3A_326, %dma_start3A_521, %dma_start3A_527] : memref<2x16x50xi32, #tpu.memory_space<vmem>> -> memref<1x1x50xi32, #tpu.memory_space<vmem>>
        %dma_start3A_529 = tpu.memref_squeeze %dma_start3A_528 : memref<1x1x50xi32, #tpu.memory_space<vmem>> -> memref<50xi32, #tpu.memory_space<vmem>>
        %dma_start3A_530 = arith.constant 0 : i32
        %dma_start3A_531 = arith.constant 0 : i32
        %dma_start3A_532 = tpu.memref_slice %arg2[%dma_start3A_530, %dma_start3A_531] : memref<1000000x32xf32, #tpu.memory_space<hbm>> -> memref<1000000x32xf32, #tpu.memory_space<hbm>>
        %dma_start3A_533 = tpu.memref_slice %arg7[%sub3A_326] : memref<2x!tpu.dma_semaphore, #tpu.memory_space<semaphore_mem>> -> memref<1x!tpu.dma_semaphore, #tpu.memory_space<semaphore_mem>>
        %dma_start3A_534 = tpu.memref_squeeze %dma_start3A_533 : memref<1x!tpu.dma_semaphore, #tpu.memory_space<semaphore_mem>> -> memref<!tpu.dma_semaphore, #tpu.memory_space<semaphore_mem>>
        tpu.enqueue_indirect_dma source(%dma_start3A_532 : memref<1000000x32xf32, #tpu.memory_space<hbm>>) target(%dma_start3A_526 : memref<50x32xf32, #tpu.memory_space<vmem>>) offsets(%dma_start3A_529 : memref<50xi32, #tpu.memory_space<vmem>>) semaphore(%dma_start3A_534 : memref<!tpu.dma_semaphore, #tpu.memory_space<semaphore_mem>>)
        %dma_start3A_535 = arith.constant 11 : i32
        %dma_start3A_536 = arith.constant 11 : i32
        %dma_start3A_537 = arith.constant 0 : i32
        %dma_start3A_538 = arith.constant 0 : i32
        %dma_start3A_539 = tpu.memref_slice %arg6[%sub3A_326, %dma_start3A_536, %dma_start3A_537, %dma_start3A_538] : memref<2x16x50x32xf32, #tpu.memory_space<vmem>> -> memref<1x1x50x32xf32, #tpu.memory_space<vmem>>
        %dma_start3A_540 = tpu.memref_squeeze %dma_start3A_539 : memref<1x1x50x32xf32, #tpu.memory_space<vmem>> -> memref<50x32xf32, #tpu.memory_space<vmem>>
        %dma_start3A_541 = arith.constant 0 : i32
        %dma_start3A_542 = tpu.memref_slice %arg5[%sub3A_326, %dma_start3A_535, %dma_start3A_541] : memref<2x16x50xi32, #tpu.memory_space<vmem>> -> memref<1x1x50xi32, #tpu.memory_space<vmem>>
        %dma_start3A_543 = tpu.memref_squeeze %dma_start3A_542 : memref<1x1x50xi32, #tpu.memory_space<vmem>> -> memref<50xi32, #tpu.memory_space<vmem>>
        %dma_start3A_544 = arith.constant 0 : i32
        %dma_start3A_545 = arith.constant 0 : i32
        %dma_start3A_546 = tpu.memref_slice %arg2[%dma_start3A_544, %dma_start3A_545] : memref<1000000x32xf32, #tpu.memory_space<hbm>> -> memref<1000000x32xf32, #tpu.memory_space<hbm>>
        %dma_start3A_547 = tpu.memref_slice %arg7[%sub3A_326] : memref<2x!tpu.dma_semaphore, #tpu.memory_space<semaphore_mem>> -> memref<1x!tpu.dma_semaphore, #tpu.memory_space<semaphore_mem>>
        %dma_start3A_548 = tpu.memref_squeeze %dma_start3A_547 : memref<1x!tpu.dma_semaphore, #tpu.memory_space<semaphore_mem>> -> memref<!tpu.dma_semaphore, #tpu.memory_space<semaphore_mem>>
        tpu.enqueue_indirect_dma source(%dma_start3A_546 : memref<1000000x32xf32, #tpu.memory_space<hbm>>) target(%dma_start3A_540 : memref<50x32xf32, #tpu.memory_space<vmem>>) offsets(%dma_start3A_543 : memref<50xi32, #tpu.memory_space<vmem>>) semaphore(%dma_start3A_548 : memref<!tpu.dma_semaphore, #tpu.memory_space<semaphore_mem>>)
        %dma_start3A_549 = arith.constant 12 : i32
        %dma_start3A_550 = arith.constant 12 : i32
        %dma_start3A_551 = arith.constant 0 : i32
        %dma_start3A_552 = arith.constant 0 : i32
        %dma_start3A_553 = tpu.memref_slice %arg6[%sub3A_326, %dma_start3A_550, %dma_start3A_551, %dma_start3A_552] : memref<2x16x50x32xf32, #tpu.memory_space<vmem>> -> memref<1x1x50x32xf32, #tpu.memory_space<vmem>>
        %dma_start3A_554 = tpu.memref_squeeze %dma_start3A_553 : memref<1x1x50x32xf32, #tpu.memory_space<vmem>> -> memref<50x32xf32, #tpu.memory_space<vmem>>
        %dma_start3A_555 = arith.constant 0 : i32
        %dma_start3A_556 = tpu.memref_slice %arg5[%sub3A_326, %dma_start3A_549, %dma_start3A_555] : memref<2x16x50xi32, #tpu.memory_space<vmem>> -> memref<1x1x50xi32, #tpu.memory_space<vmem>>
        %dma_start3A_557 = tpu.memref_squeeze %dma_start3A_556 : memref<1x1x50xi32, #tpu.memory_space<vmem>> -> memref<50xi32, #tpu.memory_space<vmem>>
        %dma_start3A_558 = arith.constant 0 : i32
        %dma_start3A_559 = arith.constant 0 : i32
        %dma_start3A_560 = tpu.memref_slice %arg2[%dma_start3A_558, %dma_start3A_559] : memref<1000000x32xf32, #tpu.memory_space<hbm>> -> memref<1000000x32xf32, #tpu.memory_space<hbm>>
        %dma_start3A_561 = tpu.memref_slice %arg7[%sub3A_326] : memref<2x!tpu.dma_semaphore, #tpu.memory_space<semaphore_mem>> -> memref<1x!tpu.dma_semaphore, #tpu.memory_space<semaphore_mem>>
        %dma_start3A_562 = tpu.memref_squeeze %dma_start3A_561 : memref<1x!tpu.dma_semaphore, #tpu.memory_space<semaphore_mem>> -> memref<!tpu.dma_semaphore, #tpu.memory_space<semaphore_mem>>
        tpu.enqueue_indirect_dma source(%dma_start3A_560 : memref<1000000x32xf32, #tpu.memory_space<hbm>>) target(%dma_start3A_554 : memref<50x32xf32, #tpu.memory_space<vmem>>) offsets(%dma_start3A_557 : memref<50xi32, #tpu.memory_space<vmem>>) semaphore(%dma_start3A_562 : memref<!tpu.dma_semaphore, #tpu.memory_space<semaphore_mem>>)
        %dma_start3A_563 = arith.constant 13 : i32
        %dma_start3A_564 = arith.constant 13 : i32
        %dma_start3A_565 = arith.constant 0 : i32
        %dma_start3A_566 = arith.constant 0 : i32
        %dma_start3A_567 = tpu.memref_slice %arg6[%sub3A_326, %dma_start3A_564, %dma_start3A_565, %dma_start3A_566] : memref<2x16x50x32xf32, #tpu.memory_space<vmem>> -> memref<1x1x50x32xf32, #tpu.memory_space<vmem>>
        %dma_start3A_568 = tpu.memref_squeeze %dma_start3A_567 : memref<1x1x50x32xf32, #tpu.memory_space<vmem>> -> memref<50x32xf32, #tpu.memory_space<vmem>>
        %dma_start3A_569 = arith.constant 0 : i32
        %dma_start3A_570 = tpu.memref_slice %arg5[%sub3A_326, %dma_start3A_563, %dma_start3A_569] : memref<2x16x50xi32, #tpu.memory_space<vmem>> -> memref<1x1x50xi32, #tpu.memory_space<vmem>>
        %dma_start3A_571 = tpu.memref_squeeze %dma_start3A_570 : memref<1x1x50xi32, #tpu.memory_space<vmem>> -> memref<50xi32, #tpu.memory_space<vmem>>
        %dma_start3A_572 = arith.constant 0 : i32
        %dma_start3A_573 = arith.constant 0 : i32
        %dma_start3A_574 = tpu.memref_slice %arg2[%dma_start3A_572, %dma_start3A_573] : memref<1000000x32xf32, #tpu.memory_space<hbm>> -> memref<1000000x32xf32, #tpu.memory_space<hbm>>
        %dma_start3A_575 = tpu.memref_slice %arg7[%sub3A_326] : memref<2x!tpu.dma_semaphore, #tpu.memory_space<semaphore_mem>> -> memref<1x!tpu.dma_semaphore, #tpu.memory_space<semaphore_mem>>
        %dma_start3A_576 = tpu.memref_squeeze %dma_start3A_575 : memref<1x!tpu.dma_semaphore, #tpu.memory_space<semaphore_mem>> -> memref<!tpu.dma_semaphore, #tpu.memory_space<semaphore_mem>>
        tpu.enqueue_indirect_dma source(%dma_start3A_574 : memref<1000000x32xf32, #tpu.memory_space<hbm>>) target(%dma_start3A_568 : memref<50x32xf32, #tpu.memory_space<vmem>>) offsets(%dma_start3A_571 : memref<50xi32, #tpu.memory_space<vmem>>) semaphore(%dma_start3A_576 : memref<!tpu.dma_semaphore, #tpu.memory_space<semaphore_mem>>)
        %dma_start3A_577 = arith.constant 14 : i32
        %dma_start3A_578 = arith.constant 14 : i32
        %dma_start3A_579 = arith.constant 0 : i32
        %dma_start3A_580 = arith.constant 0 : i32
        %dma_start3A_581 = tpu.memref_slice %arg6[%sub3A_326, %dma_start3A_578, %dma_start3A_579, %dma_start3A_580] : memref<2x16x50x32xf32, #tpu.memory_space<vmem>> -> memref<1x1x50x32xf32, #tpu.memory_space<vmem>>
        %dma_start3A_582 = tpu.memref_squeeze %dma_start3A_581 : memref<1x1x50x32xf32, #tpu.memory_space<vmem>> -> memref<50x32xf32, #tpu.memory_space<vmem>>
        %dma_start3A_583 = arith.constant 0 : i32
        %dma_start3A_584 = tpu.memref_slice %arg5[%sub3A_326, %dma_start3A_577, %dma_start3A_583] : memref<2x16x50xi32, #tpu.memory_space<vmem>> -> memref<1x1x50xi32, #tpu.memory_space<vmem>>
        %dma_start3A_585 = tpu.memref_squeeze %dma_start3A_584 : memref<1x1x50xi32, #tpu.memory_space<vmem>> -> memref<50xi32, #tpu.memory_space<vmem>>
        %dma_start3A_586 = arith.constant 0 : i32
        %dma_start3A_587 = arith.constant 0 : i32
        %dma_start3A_588 = tpu.memref_slice %arg2[%dma_start3A_586, %dma_start3A_587] : memref<1000000x32xf32, #tpu.memory_space<hbm>> -> memref<1000000x32xf32, #tpu.memory_space<hbm>>
        %dma_start3A_589 = tpu.memref_slice %arg7[%sub3A_326] : memref<2x!tpu.dma_semaphore, #tpu.memory_space<semaphore_mem>> -> memref<1x!tpu.dma_semaphore, #tpu.memory_space<semaphore_mem>>
        %dma_start3A_590 = tpu.memref_squeeze %dma_start3A_589 : memref<1x!tpu.dma_semaphore, #tpu.memory_space<semaphore_mem>> -> memref<!tpu.dma_semaphore, #tpu.memory_space<semaphore_mem>>
        tpu.enqueue_indirect_dma source(%dma_start3A_588 : memref<1000000x32xf32, #tpu.memory_space<hbm>>) target(%dma_start3A_582 : memref<50x32xf32, #tpu.memory_space<vmem>>) offsets(%dma_start3A_585 : memref<50xi32, #tpu.memory_space<vmem>>) semaphore(%dma_start3A_590 : memref<!tpu.dma_semaphore, #tpu.memory_space<semaphore_mem>>)
        %dma_start3A_591 = arith.constant 15 : i32
        %dma_start3A_592 = arith.constant 15 : i32
        %dma_start3A_593 = arith.constant 0 : i32
        %dma_start3A_594 = arith.constant 0 : i32
        %dma_start3A_595 = tpu.memref_slice %arg6[%sub3A_326, %dma_start3A_592, %dma_start3A_593, %dma_start3A_594] : memref<2x16x50x32xf32, #tpu.memory_space<vmem>> -> memref<1x1x50x32xf32, #tpu.memory_space<vmem>>
        %dma_start3A_596 = tpu.memref_squeeze %dma_start3A_595 : memref<1x1x50x32xf32, #tpu.memory_space<vmem>> -> memref<50x32xf32, #tpu.memory_space<vmem>>
        %dma_start3A_597 = arith.constant 0 : i32
        %dma_start3A_598 = tpu.memref_slice %arg5[%sub3A_326, %dma_start3A_591, %dma_start3A_597] : memref<2x16x50xi32, #tpu.memory_space<vmem>> -> memref<1x1x50xi32, #tpu.memory_space<vmem>>
        %dma_start3A_599 = tpu.memref_squeeze %dma_start3A_598 : memref<1x1x50xi32, #tpu.memory_space<vmem>> -> memref<50xi32, #tpu.memory_space<vmem>>
        %dma_start3A_600 = arith.constant 0 : i32
        %dma_start3A_601 = arith.constant 0 : i32
        %dma_start3A_602 = tpu.memref_slice %arg2[%dma_start3A_600, %dma_start3A_601] : memref<1000000x32xf32, #tpu.memory_space<hbm>> -> memref<1000000x32xf32, #tpu.memory_space<hbm>>
        %dma_start3A_603 = tpu.memref_slice %arg7[%sub3A_326] : memref<2x!tpu.dma_semaphore, #tpu.memory_space<semaphore_mem>> -> memref<1x!tpu.dma_semaphore, #tpu.memory_space<semaphore_mem>>
        %dma_start3A_604 = tpu.memref_squeeze %dma_start3A_603 : memref<1x!tpu.dma_semaphore, #tpu.memory_space<semaphore_mem>> -> memref<!tpu.dma_semaphore, #tpu.memory_space<semaphore_mem>>
        tpu.enqueue_indirect_dma source(%dma_start3A_602 : memref<1000000x32xf32, #tpu.memory_space<hbm>>) target(%dma_start3A_596 : memref<50x32xf32, #tpu.memory_space<vmem>>) offsets(%dma_start3A_599 : memref<50xi32, #tpu.memory_space<vmem>>) semaphore(%dma_start3A_604 : memref<!tpu.dma_semaphore, #tpu.memory_space<semaphore_mem>>)
      } else {
      }
      %dma_wait3A_331 = arith.constant 0 : i32
      %dma_wait3A_332 = arith.constant 0 : i32
      %dma_wait3A_333 = arith.constant 0 : i32
      %dma_wait3A_334 = tpu.memref_slice %arg6[%rem3A_325, %dma_wait3A_331, %dma_wait3A_332, %dma_wait3A_333] : memref<2x16x50x32xf32, #tpu.memory_space<vmem>> -> memref<1x16x50x32xf32, #tpu.memory_space<vmem>>
      %dma_wait3A_335 = tpu.memref_squeeze %dma_wait3A_334 : memref<1x16x50x32xf32, #tpu.memory_space<vmem>> -> memref<16x50x32xf32, #tpu.memory_space<vmem>>
      %dma_wait3A_336 = arith.constant 0 : i32
      %dma_wait3A_337 = arith.constant 0 : i32
      %dma_wait3A_338 = arith.constant 0 : i32
      %dma_wait3A_339 = tpu.memref_slice %arg4[%dma_wait3A_336, %dma_wait3A_337, %dma_wait3A_338] : memref<16384x50x32xf32, #tpu.memory_space<hbm>> -> memref<16x50x32xf32, #tpu.memory_space<hbm>>
      %dma_wait3A_340 = tpu.memref_slice %arg7[%rem3A_325] : memref<2x!tpu.dma_semaphore, #tpu.memory_space<semaphore_mem>> -> memref<1x!tpu.dma_semaphore, #tpu.memory_space<semaphore_mem>>
      %dma_wait3A_341 = tpu.memref_squeeze %dma_wait3A_340 : memref<1x!tpu.dma_semaphore, #tpu.memory_space<semaphore_mem>> -> memref<!tpu.dma_semaphore, #tpu.memory_space<semaphore_mem>>
      %dma_wait3A_342 = arith.constant 0 : i32
      %dma_wait3A_343 = arith.constant 0 : i32
      %dma_wait3A_344 = arith.constant 0 : i32
      %dma_wait3A_345 = tpu.memref_slice %arg6[%rem3A_325, %dma_wait3A_342, %dma_wait3A_343, %dma_wait3A_344] : memref<2x16x50x32xf32, #tpu.memory_space<vmem>> -> memref<1x16x50x32xf32, #tpu.memory_space<vmem>>
      %dma_wait3A_346 = tpu.memref_squeeze %dma_wait3A_345 : memref<1x16x50x32xf32, #tpu.memory_space<vmem>> -> memref<16x50x32xf32, #tpu.memory_space<vmem>>
      %dma_wait3A_347 = arith.constant 0 : i32
      %dma_wait3A_348 = arith.constant 0 : i32
      %dma_wait3A_349 = arith.constant 0 : i32
      %dma_wait3A_350 = tpu.memref_slice %arg4[%dma_wait3A_347, %dma_wait3A_348, %dma_wait3A_349] : memref<16384x50x32xf32, #tpu.memory_space<hbm>> -> memref<16x50x32xf32, #tpu.memory_space<hbm>>
      tpu.wait_dma2 semaphore(%dma_wait3A_341 : memref<!tpu.dma_semaphore, #tpu.memory_space<semaphore_mem>>) src(%dma_wait3A_350 : memref<16x50x32xf32, #tpu.memory_space<hbm>>) dst(%dma_wait3A_346 : memref<16x50x32xf32, #tpu.memory_space<vmem>>)
      %mul3A_351 = arith.constant 16 : i32
      %mul3A_352 = arith.muli %scan3A_324, %mul3A_351 : i32
      %add3A_353 = arith.addi %mul3A_2, %mul3A_352 : i32
      %dma_start3A_354 = arith.constant 0 : i32
      %dma_start3A_355 = arith.constant 0 : i32
      %dma_start3A_356 = arith.constant 0 : i32
      %dma_start3A_357 = tpu.memref_slice %arg6[%rem3A_325, %dma_start3A_354, %dma_start3A_355, %dma_start3A_356] : memref<2x16x50x32xf32, #tpu.memory_space<vmem>> -> memref<1x16x50x32xf32, #tpu.memory_space<vmem>>
      %dma_start3A_358 = tpu.memref_squeeze %dma_start3A_357 : memref<1x16x50x32xf32, #tpu.memory_space<vmem>> -> memref<16x50x32xf32, #tpu.memory_space<vmem>>
      %dma_start3A_359 = arith.constant 0 : i32
      %dma_start3A_360 = arith.constant 0 : i32
      %dma_start3A_361 = tpu.memref_slice %arg4[%add3A_353, %dma_start3A_359, %dma_start3A_360] : memref<16384x50x32xf32, #tpu.memory_space<hbm>> -> memref<16x50x32xf32, #tpu.memory_space<hbm>>
      %dma_start3A_362 = tpu.memref_slice %arg8[%rem3A_325] : memref<2x!tpu.dma_semaphore, #tpu.memory_space<semaphore_mem>> -> memref<1x!tpu.dma_semaphore, #tpu.memory_space<semaphore_mem>>
      %dma_start3A_363 = tpu.memref_squeeze %dma_start3A_362 : memref<1x!tpu.dma_semaphore, #tpu.memory_space<semaphore_mem>> -> memref<!tpu.dma_semaphore, #tpu.memory_space<semaphore_mem>>
      %dma_start3A_364 = arith.constant 0 : i32
      %dma_start3A_365 = arith.constant 0 : i32
      %dma_start3A_366 = tpu.memref_slice %arg4[%add3A_353, %dma_start3A_364, %dma_start3A_365] : memref<16384x50x32xf32, #tpu.memory_space<hbm>> -> memref<16x50x32xf32, #tpu.memory_space<hbm>>
      %dma_start3A_367 = arith.constant 0 : i32
      %dma_start3A_368 = arith.constant 0 : i32
      %dma_start3A_369 = arith.constant 0 : i32
      %dma_start3A_370 = tpu.memref_slice %arg6[%rem3A_325, %dma_start3A_367, %dma_start3A_368, %dma_start3A_369] : memref<2x16x50x32xf32, #tpu.memory_space<vmem>> -> memref<1x16x50x32xf32, #tpu.memory_space<vmem>>
      %dma_start3A_371 = tpu.memref_squeeze %dma_start3A_370 : memref<1x16x50x32xf32, #tpu.memory_space<vmem>> -> memref<16x50x32xf32, #tpu.memory_space<vmem>>
      tpu.enqueue_dma source(%dma_start3A_371 : memref<16x50x32xf32, #tpu.memory_space<vmem>>) target(%dma_start3A_366 : memref<16x50x32xf32, #tpu.memory_space<hbm>>) target_semaphore(%dma_start3A_363 : memref<!tpu.dma_semaphore, #tpu.memory_space<semaphore_mem>>)
    }
    %scan3A_280 = arith.constant 32 : i32
    %dma_wait3A = arith.constant 0 : i32
    %dma_wait3A_281 = arith.constant 0 : i32
    %dma_wait3A_282 = arith.constant 0 : i32
    %dma_wait3A_283 = arith.constant 0 : i32
    %dma_wait3A_284 = arith.constant 0 : i32
    %dma_wait3A_285 = tpu.memref_slice %arg6[%dma_wait3A, %dma_wait3A_282, %dma_wait3A_283, %dma_wait3A_284] : memref<2x16x50x32xf32, #tpu.memory_space<vmem>> -> memref<1x16x50x32xf32, #tpu.memory_space<vmem>>
    %dma_wait3A_286 = tpu.memref_squeeze %dma_wait3A_285 : memref<1x16x50x32xf32, #tpu.memory_space<vmem>> -> memref<16x50x32xf32, #tpu.memory_space<vmem>>
    %dma_wait3A_287 = arith.constant 0 : i32
    %dma_wait3A_288 = arith.constant 0 : i32
    %dma_wait3A_289 = arith.constant 0 : i32
    %dma_wait3A_290 = tpu.memref_slice %arg4[%dma_wait3A_287, %dma_wait3A_288, %dma_wait3A_289] : memref<16384x50x32xf32, #tpu.memory_space<hbm>> -> memref<16x50x32xf32, #tpu.memory_space<hbm>>
    %dma_wait3A_291 = tpu.memref_slice %arg8[%dma_wait3A_281] : memref<2x!tpu.dma_semaphore, #tpu.memory_space<semaphore_mem>> -> memref<1x!tpu.dma_semaphore, #tpu.memory_space<semaphore_mem>>
    %dma_wait3A_292 = tpu.memref_squeeze %dma_wait3A_291 : memref<1x!tpu.dma_semaphore, #tpu.memory_space<semaphore_mem>> -> memref<!tpu.dma_semaphore, #tpu.memory_space<semaphore_mem>>
    %dma_wait3A_293 = arith.constant 0 : i32
    %dma_wait3A_294 = arith.constant 0 : i32
    %dma_wait3A_295 = arith.constant 0 : i32
    %dma_wait3A_296 = tpu.memref_slice %arg4[%dma_wait3A_293, %dma_wait3A_294, %dma_wait3A_295] : memref<16384x50x32xf32, #tpu.memory_space<hbm>> -> memref<16x50x32xf32, #tpu.memory_space<hbm>>
    %dma_wait3A_297 = arith.constant 0 : i32
    %dma_wait3A_298 = arith.constant 0 : i32
    %dma_wait3A_299 = arith.constant 0 : i32
    %dma_wait3A_300 = tpu.memref_slice %arg6[%dma_wait3A, %dma_wait3A_297, %dma_wait3A_298, %dma_wait3A_299] : memref<2x16x50x32xf32, #tpu.memory_space<vmem>> -> memref<1x16x50x32xf32, #tpu.memory_space<vmem>>
    %dma_wait3A_301 = tpu.memref_squeeze %dma_wait3A_300 : memref<1x16x50x32xf32, #tpu.memory_space<vmem>> -> memref<16x50x32xf32, #tpu.memory_space<vmem>>
    tpu.wait_dma2 semaphore(%dma_wait3A_292 : memref<!tpu.dma_semaphore, #tpu.memory_space<semaphore_mem>>) src(%dma_wait3A_301 : memref<16x50x32xf32, #tpu.memory_space<vmem>>) dst(%dma_wait3A_296 : memref<16x50x32xf32, #tpu.memory_space<hbm>>)
    %dma_wait3A_302 = arith.constant 1 : i32
    %dma_wait3A_303 = arith.constant 1 : i32
    %dma_wait3A_304 = arith.constant 0 : i32
    %dma_wait3A_305 = arith.constant 0 : i32
    %dma_wait3A_306 = arith.constant 0 : i32
    %dma_wait3A_307 = tpu.memref_slice %arg6[%dma_wait3A_302, %dma_wait3A_304, %dma_wait3A_305, %dma_wait3A_306] : memref<2x16x50x32xf32, #tpu.memory_space<vmem>> -> memref<1x16x50x32xf32, #tpu.memory_space<vmem>>
    %dma_wait3A_308 = tpu.memref_squeeze %dma_wait3A_307 : memref<1x16x50x32xf32, #tpu.memory_space<vmem>> -> memref<16x50x32xf32, #tpu.memory_space<vmem>>
    %dma_wait3A_309 = arith.constant 0 : i32
    %dma_wait3A_310 = arith.constant 0 : i32
    %dma_wait3A_311 = arith.constant 0 : i32
    %dma_wait3A_312 = tpu.memref_slice %arg4[%dma_wait3A_309, %dma_wait3A_310, %dma_wait3A_311] : memref<16384x50x32xf32, #tpu.memory_space<hbm>> -> memref<16x50x32xf32, #tpu.memory_space<hbm>>
    %dma_wait3A_313 = tpu.memref_slice %arg8[%dma_wait3A_303] : memref<2x!tpu.dma_semaphore, #tpu.memory_space<semaphore_mem>> -> memref<1x!tpu.dma_semaphore, #tpu.memory_space<semaphore_mem>>
    %dma_wait3A_314 = tpu.memref_squeeze %dma_wait3A_313 : memref<1x!tpu.dma_semaphore, #tpu.memory_space<semaphore_mem>> -> memref<!tpu.dma_semaphore, #tpu.memory_space<semaphore_mem>>
    %dma_wait3A_315 = arith.constant 0 : i32
    %dma_wait3A_316 = arith.constant 0 : i32
    %dma_wait3A_317 = arith.constant 0 : i32
    %dma_wait3A_318 = tpu.memref_slice %arg4[%dma_wait3A_315, %dma_wait3A_316, %dma_wait3A_317] : memref<16384x50x32xf32, #tpu.memory_space<hbm>> -> memref<16x50x32xf32, #tpu.memory_space<hbm>>
    %dma_wait3A_319 = arith.constant 0 : i32
    %dma_wait3A_320 = arith.constant 0 : i32
    %dma_wait3A_321 = arith.constant 0 : i32
    %dma_wait3A_322 = tpu.memref_slice %arg6[%dma_wait3A_302, %dma_wait3A_319, %dma_wait3A_320, %dma_wait3A_321] : memref<2x16x50x32xf32, #tpu.memory_space<vmem>> -> memref<1x16x50x32xf32, #tpu.memory_space<vmem>>
    %dma_wait3A_323 = tpu.memref_squeeze %dma_wait3A_322 : memref<1x16x50x32xf32, #tpu.memory_space<vmem>> -> memref<16x50x32xf32, #tpu.memory_space<vmem>>
    tpu.wait_dma2 semaphore(%dma_wait3A_314 : memref<!tpu.dma_semaphore, #tpu.memory_space<semaphore_mem>>) src(%dma_wait3A_323 : memref<16x50x32xf32, #tpu.memory_space<vmem>>) dst(%dma_wait3A_318 : memref<16x50x32xf32, #tpu.memory_space<hbm>>)
    return
  }
}

</mosaic_0001>

<sc_bundles>
// kernel: _gather.3.cloned.1.call-start
scs
__scs_entry_jumppad:
0x0: {  	(pc) =	sbr.rel $0x88, $3  }
0x1: {  	(tag) =	ssettag $0x0;
	lr =	simm.s32 $0x1  }
0x2: {  	[smem:$0x3F9F] =	sst lr;
	_ =	strace $0xD0000000  }
0x3: {  	_ = 	snop  }
0x4: {  	_ = 	snop  }
0x5: {  	_ = 	snop  }
0x6: {  	_ = 	snop  }
0x7: {  	_ = 	snop  }
__scs_overlays_trampoline_lowered:
0x8: {  	[smem:$0x3FAE] =	sst s0  }
0x9: {  	[smem:$0x3FAF] =	sst s1  }
0xa: {  	[smem:$0x3FB0] =	sst s2  }
0xb: {  	[smem:$0x3FB1] =	sst s3  }
0xc: {  	[smem:$0x3FB2] =	sst s4  }
0xd: {  	[smem:$0x3FB3] =	sst s5  }
0xe: {  	[smem:$0x3FB4] =	sst s6  }
0xf: {  	[smem:$0x3FB5] =	sst s7  }
0x10: {  	[smem:$0x3FB6] =	sst s8  }
0x11: {  	[smem:$0x3FB7] =	sst s9;
	s0 =	simm.s32 @!p0 $0x0  }
0x12: {  	s1 =	sld [smem:$0x3F9D];
	s0 =	simm.s32 @p0 $0x1  }
0x13: {  	[smem:$0x3FB8] =	sst s0;
	s0 =	simm.s32 @!p1 $0x0  }
0x14: {  	s2 =	sld [smem:$0x3F9C];
	s0 =	simm.s32 @p1 $0x1  }
0x15: {  	[smem:$0x3FB9] =	sst s0;
	s0 =	simm.s32 @!p2 $0x0  }
0x16: {  	s3 =	sld [smem:$0x3FDB];
	s0 =	simm.s32 @p2 $0x1  }
0x17: {  	s4 =	simm.s32 $0x1BF5;
	[smem:$0x3FBB] =	sst s0  }
0x18: {  	s0 =	sld [smem:$0x3F9E];
	_ =	swait.ge [sflag:s4], $0x0  }
0x19: {  	s7 =	sld [smem:$0x3F9F]  }
0x1a: {  	s8 =	sadd.s32 $0xFFFFE003, lr  }
0x1b: {  	s9 =	sadd.s32 $0xFFFFFEF7, lr;
	s5 =	simm.s32 $0xFFFFFFFF;
	p2 =	slt.u32 s8, $0xFFFFF086  }
0x1c: {  	p1 =	slt.u32 s9, $0xF7A;
	s5 =	simm.s32 @!p2 $0x0  }
0x1d: {  	s5 =	simm.s32 @p1 $0x1;
	p0 =	seq.s32 s7, s2  }
0x1e: {  	s7 =	smul.u32 @!p0 $0xF7A, s2;
	p2 =	seq.s32 @!p0 s5, $0x0  }
0x1f: {  	s9 =	smul.u32 $0xF7A, s1;
	s8 =	simm.s32 @!p0 $0x1BF5;
	p2 =	por !p2, p0  }
0x20: {  	[sflag:s8] =	ssyncset.s32 @!p0 $0xFFFFF086;
	s6 =	sadd.s32 @!p0 s3, s7;
	s7 =	simm.s32 @!p0 $0x108  }
0x21: {  	s3 =	sadd.s32 s3, s9;
	s6 =	sadd.s32 @!p0 $0x88, s6;
	s7 =	simm.s32 @p2 $0x1082  }
0x22: {  	[simem:s7], [sflag:s8] =	dma.local @!p0 [hbm:s6], $0xF7A  }
0x23: {  	s9 =	sor.u32 $0xD0000000, s2;
	s6 =	simm.s32 $0x108;
	_ =	swait.ge @!p0 [sflag:s8], $0x0  }
0x24: {  	s3 =	sadd.s32 $0x88, s3;
	s6 =	simm.s32 @!p1 $0x1082;
	[sflag:s4] =	ssyncset.s32 $0xFFFFF086  }
0x25: {  	[simem:s6], [sflag:s4] =	dma.local [hbm:s3], $0xF7A  }
0x26: {  	[smem:$0x3F9F] =	sst s1;
	(tag) =	ssettag s2;
	_ =	strace s9  }
0x27: {  	s1 =	sld [smem:$0x3FAF]  }
0x28: {  	s2 =	sld [smem:$0x3FB0]  }
0x29: {  	s4 =	sld [smem:$0x3FB2]  }
0x2a: {  	p0 =	seq.s32 s5, $0x0;
	s5 =	sld [smem:$0x3FB3]  }
0x2b: {  	s6 =	sld [smem:$0x3FB4]  }
0x2c: {  	s7 =	sld [smem:$0x3FB5]  }
0x2d: {  	s3 =	simm.s32 $0x108;
	s8 =	sld [smem:$0x3FB6]  }
0x2e: {  	s3 =	simm.s32 @!p0 $0x1082;
	s9 =	sld [smem:$0x3FB7]  }
0x2f: {  	lr =	sadd.s32 s0, s3;
	s0 =	sld [smem:$0x3FAE]  }
0x30: {  	s3 =	sld [smem:$0x3FB1]  }
0x31: {  	[smem:$0x3FBA] =	sst s10  }
0x32: {  	s10 =	sld [smem:$0x3FB8];
	_ =	sdelay $0x3  }
0x33: {  	p0 =	seq.s32 s10, $0x1;
	s10 =	sld [smem:$0x3FBA];
	_ =	sdelay $0x3  }
0x34: {  	[smem:$0x3FBA] =	sst s10  }
0x35: {  	s10 =	sld [smem:$0x3FB9];
	_ =	sdelay $0x3  }
0x36: {  	p1 =	seq.s32 s10, $0x1;
	s10 =	sld [smem:$0x3FBA];
	_ =	sdelay $0x3  }
0x37: {  	[smem:$0x3FBA] =	sst s10  }
0x38: {  	s10 =	sld [smem:$0x3FBB]  }
0x39: {  	_ = 	snop;
	(pc) =	sbr.ind lr, $3  }
0x3a: {  	_ = 	snop  }
0x3b: {  	_ = 	snop  }
0x3c: {  	p2 =	seq.s32 s10, $0x1;
	s10 =	sld [smem:$0x3FBA]  }
0x3d: {  	_ =	shalt  }
0x3e: {  	_ =	shalt  }
0x3f: {  	_ =	shalt  }
0x40: {  	_ =	shalt  }
0x41: {  	_ =	shalt  }
0x42: {  	_ =	shalt  }
0x43: {  	_ =	shalt  }
0x44: {  	_ =	shalt  }
0x45: {  	_ =	shalt  }
0x46: {  	_ =	shalt  }
0x47: {  	_ =	shalt  }
0x48: {  	_ =	shalt  }
0x49: {  	_ =	shalt  }
0x4a: {  	_ =	shalt  }
0x4b: {  	_ =	shalt  }
0x4c: {  	_ =	shalt  }
0x4d: {  	_ =	shalt  }
0x4e: {  	_ =	shalt  }
0x4f: {  	_ =	shalt  }
0x50: {  	_ =	shalt  }
0x51: {  	_ =	shalt  }
0x52: {  	_ =	shalt  }
0x53: {  	_ =	shalt  }
0x54: {  	_ =	shalt  }
0x55: {  	_ =	shalt  }
0x56: {  	_ =	shalt  }
0x57: {  	_ =	shalt  }
0x58: {  	_ =	shalt  }
0x59: {  	_ =	shalt  }
0x5a: {  	_ =	shalt  }
0x5b: {  	_ =	shalt  }
0x5c: {  	_ =	shalt  }
0x5d: {  	_ =	shalt  }
0x5e: {  	_ =	shalt  }
0x5f: {  	_ =	shalt  }
0x60: {  	_ =	shalt  }
0x61: {  	_ =	shalt  }
0x62: {  	_ =	shalt  }
0x63: {  	_ =	shalt  }
0x64: {  	_ =	shalt  }
0x65: {  	_ =	shalt  }
0x66: {  	_ =	shalt  }
0x67: {  	_ =	shalt  }
0x68: {  	_ =	shalt  }
0x69: {  	_ =	shalt  }
0x6a: {  	_ =	shalt  }
0x6b: {  	_ =	shalt  }
0x6c: {  	_ =	shalt  }
0x6d: {  	_ =	shalt  }
0x6e: {  	_ =	shalt  }
0x6f: {  	_ =	shalt  }
0x70: {  	_ =	shalt  }
0x71: {  	_ =	shalt  }
0x72: {  	_ =	shalt  }
0x73: {  	_ =	shalt  }
0x74: {  	_ =	shalt  }
0x75: {  	_ =	shalt  }
0x76: {  	_ =	shalt  }
0x77: {  	_ =	shalt  }
0x78: {  	_ =	shalt  }
0x79: {  	_ =	shalt  }
0x7a: {  	_ =	shalt  }
0x7b: {  	_ =	shalt  }
0x7c: {  	_ =	shalt  }
0x7d: {  	_ =	shalt  }
0x7e: {  	_ =	shalt  }
0x7f: {  	_ =	shalt  }
0x80: {  	_ =	shalt  }
0x81: {  	_ =	shalt  }
0x82: {  	_ =	shalt  }
0x83: {  	_ =	shalt  }
0x84: {  	_ =	shalt  }
0x85: {  	_ =	shalt  }
0x86: {  	_ =	shalt  }
0x87: {  	_ =	shalt  }
.Lfunc_end0:
.L_simem_size_0:
called_computation.1_lowered:
.L_overlay_start_0:
0x88: {  	s2 =	sld [smem:$0x3FD9]  }
0x89: {  	s3 =	sld [smem:$0x3FFE];
	_ =	sdelay $0x1  }
0x8a: {  	s1 =	srdreg.scid  }
0x8b: {  	s0 =	sand.u32 $0x1, s1  }
0x8c: {  	s17 =	sshll.u32 s0, $0xA;
	s2 =	sadd.s32 s3, s2  }
0x8d: {  	s2 =	sadd.s32 s2, s17  }
0x8e: {  	[smem:$0x3FC6] =	sst s2  }
0x8f: {  	_ = 	snop  }
0x90: {  	s2 =	sld [smem:$0x3FD0];
	(tm) =	ssettm $0x1  }
0x91: {  	s18 =	sld [smem:$0x3FFB];
	_ =	sdelay $0x3  }
0x92: {  	_ =	strace s18  }
0x93: {  	s3 =	sld [smem:$0x3FFC];
	_ =	sdelay $0x3  }
0x94: {  	_ =	strace s3  }
0x95: {  	s3 =	sld [smem:$0x3FFD];
	_ =	sdelay $0x3  }
0x96: {  	_ =	strace s3  }
0x97: {  	_ =	strace $0x8FFFFFFF  }
0x98: {  	s19 =	sld [smem:$0x3FDB];
	_ =	sdelay $0x1  }
0x99: {  	s4 =	simm.s32 $_scs_section_size  }
0x9a: {  	s5 =	simm.s32 $_size__tile_overlayer_lowered;
	s6 =	simm.s32 $_tile_overlayer_lowered  }
0x9b: {  	s22 =	simm.s32 $0x1BFF;
	s21 =	sshll.u32 s6, $0x1;
	s3 =	sadd.s32 s4, s19  }
0x9c: {  	s7 =	simm.s32 $0x0;
	s20 =	sshll.u32 s5, $0x1;
	s5 =	sadd.s32 s21, s3  }
0x9d: {  	[timem:s7], [sflag:s22] =	dma.local [hbm:s5], s20  }
0x9e: {  	_ =	swait.ge [sflag:s22], s20  }
0x9f: {  	s4 =	ssub.s32 $0x0, s20;
	[sflag:s22] =	ssyncset.done $0x0  }
0xa0: {  	[sflag:s22] =	ssyncadd.s32 s4;
	_ =	sdelay $0x1  }
0xa1: {  	s23 =	simm.s32 $0x1B8B  }
0xa2: {  	_ =	swait.ge [sflag:s23], $0x1  }
0xa3: {  	[sflag:s23] =	ssyncset.done $0x0  }
0xa4: {  	s25 =	simm.s32 $0x1B8E;
	s24 =	sld [smem:$0x3FFE];
	[sflag:s23] =	ssyncadd.s32 $0xFFFFFFFF  }
0xa5: {  	s26 =	simm.s32 $execute0_lowered;
	[smem:$0x3FD2] =	sst s25  }
0xa6: {  	s5 =	sshll.u32 s26, $0x1;
	_ =	strace $0x80000046;
	[dreg:$0x1] =	wrdreg $0xFFFFFFFF  }
0xa7: {  	s28 =	simm.s32 $_size_execute0_lowered;
	s3 =	sadd.s32 s3, s5;
	[dreg:$0x0] =	wrdreg $0x0  }
0xa8: {  	s5 =	sshll.u32 s28, $0x1;
	[dreg:$0x2] =	wrdreg s3  }
0xa9: {  	[dreg:$0x3] =	wrdreg s5  }
0xaa: {  	[dreg:$0x4] =	wrdreg $0xC0  }
0xab: {  	_ =	task [dreg:s7], $0x5FFFF  }
0xac: {  	[dreg:$0x1] =	wrdreg $0xFFFFFFFF  }
0xad: {  	[dreg:$0x0] =	wrdreg $0x60  }
0xae: {  	[dreg:$0x2] =	wrdreg s24  }
0xaf: {  	[dreg:$0x3] =	wrdreg s2  }
0xb0: {  	[dreg:$0x4] =	wrdreg $0x9  }
0xb1: {  	_ =	task.clear_ibuf [dreg:s7], $0x5FFFF;
	_ =	strace $0x90000046  }
0xb2: {  	s29 =	simm.s32 $0x9;
	_ =	strace $0x80000048  }
0xb3: {  	_ =	swait.ge [sflag:s29], $0x1  }
0xb4: {  	[sflag:s29] =	ssyncadd.s32 $0xFFFFFFFF  }
0xb5: {  	_ =	strace $0x90000048  }
0xb6: {  	_ =	sfence  }
0xb7: {  	s30 =	sld [smem:$0x0];
	_ =	sdelay $0x2  }
0xb8: {  	s31 =	sshll.u32 s1, $0xD;
	s1 =	sshrl.u32 s1, $0x2  }
0xb9: {  	s3 =	sand.u32 $0x4000, s31;
	s1 =	sadd.s32 s1, s30  }
0xba: {  	s0 =	sor.u32 s3, s0;
	s1 =	sshll.u32 s1, $0x11  }
0xbb: {  	s0 =	sor.u32 s1, s0  }
0xbc: {  	s0 =	sadd.s32 $0x8F2B, s0  }
0xbd: {  	[sflag:s0] =	ssyncadd.remote.s32 $0x1  }
0xbe: {  	_ =	sfence.sel $0xFFFF  }
0xbf: {  	[dreg:$0x0] =	wrdreg $0xFFFFFFFF;
	(pc) =	sbr.abs _section_cstart, $3  }
0xc0: {  	[dreg:$0x1] =	wrdreg $0xFFFFFFFF  }
0xc1: {  	_ =	task.clear_ibuf [dreg:s7], $0x2FFFF;
	_ =	strace $0x9FFFFFFF  }
0xc2: {  	(tm) =	ssettm $0x7FFFFFFF  }
0xc3: {  	_ =	shalt  }
tec
execute0_lowered:
.L_overlay_start_1:
0x0: {  	(tag) =	ssettag $0x1  }
0x1: {  	s0 =	srdreg.scid  }
0x2: {  	s1 =	rddreg [dreg:$0x0];
	s8 =	stileid.u32  }
0x3: {  	s5 =	rddreg [dreg:$0x1];
	s2 =	simm.s32 $0x0;
	s31 =	simm.s32 $0x4580  }
0x4: {  	s11 =	simm.s32 $0x5200;
	s12 =	simm.s32 $0x2D8;
	s13 =	simm.s32 $0x5840  }
0x5: {  	s14 =	simm.s32 $0x310;
	s15 =	simm.s32 $0x5E80;
	s16 =	simm.s32 $0x348  }
0x6: {  	s17 =	simm.s32 $0x64C0;
	s18 =	simm.s32 $0x3;
	s19 =	simm.s32 $0x4  }
0x7: {  	s20 =	simm.s32 $0x0;
	s0 =	sand.u32 $0x1, s0;
	s6 =	smul.u32 $0x32000, s8  }
0x8: {  	s3 =	sshll.u32 s8, $0xA;
	[smem:$0x7FF] =	sst s2;
	s8 =	smul.u32 $0x1C00, s8  }
0x9: {  	s4 =	sshll.u32 s0, $0x9;
	_ =	strace $0x80000047;
	s10 =	smul.u32 $0xE00, s0  }
0xa: {  	s7 =	ssub.s32 $0x2, s0;
	s0 =	smul.u32 $0x19000, s0;
	s3 =	sor.u32 s4, s3  }
0xb: {  	s9 =	sshrl.u32 s7, $0x1;
	s29 =	sadd.s32 s6, s5;
	s4 =	smul.u32 $0x7, s3  }
.Ltmp0:
0xc: {  	s3 =	sadd.s32 $0xF42E00, s1;
	s1 =	sadd.s32 $0xA00, s1;
	(pc) =	sbr.rel .LBB2_1-.Ltmp0, $4  }
0xd: {  	s7 =	ssub.s32 s7, s9;
	s22 =	sadd.s32 s0, s29;
	s9 =	simm.s32 $0x32  }
0xe: {  	s0 =	simm.s32 $0x4BC0;
	s8 =	sadd.s32 s8, s1;
	s5 =	smax.u32 s7, $0x1  }
0xf: {  	s4 =	sadd.s32 s1, s4;
	s30 =	sadd.s32 s10, s8;
	s8 =	simm.s32 $0x5  }
0x10: {  	s1 =	simm.s32 $0x268;
	s10 =	simm.s32 $0x2A0;
	s21 =	sadd.s32 $0x70, s30  }
.LBB2_7:
0x11: {  	s20 =	sadd.s32 $0x1, s20  }
0x12: {  	_ =	swait.ge [sflag:s18], $0x6400;
	p0 =	sne.s32 s20, s5  }
.Ltmp1:
0x13: {  	[sflag:s18] =	ssyncset.done $0x0;
	(pc) =	sbr.rel @!p0 .LBB2_8-.Ltmp1, $4  }
0x14: {  	[sflag:s18] =	ssyncadd.s32 $0xFFFF9C00  }
0x15: {  	_ =	swait.ge [sflag:s19], $0x6400  }
0x16: {  	[sflag:s19] =	ssyncset.done $0x0  }
0x17: {  	[sflag:s19] =	ssyncadd.s32 $0xFFFF9C00  }
.LBB2_1:
0x18: {  	[tilespmem:s2], [sflag:$0x5] =	stream.linear.gather [hbm4b:s4+s2], $0x380, $0x38;
	[tilespmem:$0xCF00] =	vst v63  }
0x19: {  	_ =	swait.ge [sflag:s8], $0x380  }
0x1a: {  	[sflag:s8] =	ssyncset.done $0x0  }
0x1b: {  	s6 =	simm.s32 $0x700;
	[sflag:s8] =	ssyncadd.s32 $0xFFFFFC80  }
0x1c: {  	[tilespmem:s6], [sflag:$0x1] =	stream.indirect.gather [hbm4b:s3+s9], $0x20, s2, s9, $0xb8;
	[tilespmem:$0xCF00] =	vst v63  }
0x1d: {  	s28 =	simm.s32 $0x38;
	s7 =	simm.s32 $0xD40  }
0x1e: {  	[tilespmem:s7], [sflag:$0x1] =	stream.indirect.gather [hbm4b:s3+s9], $0x20, s28, s9, $0xb8;
	[tilespmem:$0xCF00] =	vst v63  }
0x1f: {  	s29 =	simm.s32 $0x70;
	s30 =	simm.s32 $0x1380  }
0x20: {  	[tilespmem:s30], [sflag:$0x1] =	stream.indirect.gather [hbm4b:s3+s9], $0x20, s29, s9, $0xb8;
	[tilespmem:$0xCF00] =	vst v63  }
0x21: {  	s23 =	simm.s32 $0x19C0;
	s7 =	simm.s32 $0xA8  }
0x22: {  	[tilespmem:s23], [sflag:$0x1] =	stream.indirect.gather [hbm4b:s3+s9], $0x20, s7, s9, $0xb8;
	[tilespmem:$0xCF00] =	vst v63  }
0x23: {  	s24 =	simm.s32 $0xE0;
	s25 =	simm.s32 $0x2000  }
0x24: {  	[tilespmem:s25], [sflag:$0x1] =	stream.indirect.gather [hbm4b:s3+s9], $0x20, s24, s9, $0xb8;
	[tilespmem:$0xCF00] =	vst v63  }
0x25: {  	s26 =	simm.s32 $0x118;
	s28 =	simm.s32 $0x2640  }
0x26: {  	[tilespmem:s28], [sflag:$0x1] =	stream.indirect.gather [hbm4b:s3+s9], $0x20, s26, s9, $0xb8;
	[tilespmem:$0xCF00] =	vst v63  }
0x27: {  	s29 =	simm.s32 $0x150;
	s30 =	simm.s32 $0x2C80  }
0x28: {  	[tilespmem:s30], [sflag:$0x1] =	stream.indirect.gather [hbm4b:s3+s9], $0x20, s29, s9, $0xb8;
	[tilespmem:$0xCF00] =	vst v63  }
0x29: {  	s23 =	simm.s32 $0x188;
	s24 =	simm.s32 $0x32C0  }
0x2a: {  	[tilespmem:s24], [sflag:$0x1] =	stream.indirect.gather [hbm4b:s3+s9], $0x20, s23, s9, $0xb8;
	[tilespmem:$0xCF00] =	vst v63  }
0x2b: {  	s25 =	simm.s32 $0x1C0;
	s26 =	simm.s32 $0x3900  }
0x2c: {  	[tilespmem:s26], [sflag:$0x1] =	stream.indirect.gather [hbm4b:s3+s9], $0x20, s25, s9, $0xb8;
	[tilespmem:$0xCF00] =	vst v63  }
0x2d: {  	s28 =	simm.s32 $0x1F8;
	s29 =	simm.s32 $0x3F40  }
0x2e: {  	[tilespmem:s29], [sflag:$0x1] =	stream.indirect.gather [hbm4b:s3+s9], $0x20, s28, s9, $0xb8;
	[tilespmem:$0xCF00] =	vst v63  }
0x2f: {  	s30 =	simm.s32 $0x230  }
0x30: {  	[tilespmem:s31], [sflag:$0x1] =	stream.indirect.gather [hbm4b:s3+s9], $0x20, s30, s9, $0xb8;
	[tilespmem:$0xCF00] =	vst v63  }
0x31: {  	_ = 	snop  }
0x32: {  	[tilespmem:s0], [sflag:$0x1] =	stream.indirect.gather [hbm4b:s3+s9], $0x20, s1, s9, $0xb8;
	[tilespmem:$0xCF00] =	vst v63  }
0x33: {  	_ = 	snop  }
0x34: {  	[tilespmem:s11], [sflag:$0x1] =	stream.indirect.gather [hbm4b:s3+s9], $0x20, s10, s9, $0xb8;
	[tilespmem:$0xCF00] =	vst v63  }
0x35: {  	_ = 	snop  }
0x36: {  	[tilespmem:s13], [sflag:$0x1] =	stream.indirect.gather [hbm4b:s3+s9], $0x20, s12, s9, $0xb8;
	[tilespmem:$0xCF00] =	vst v63  }
.Ltmp2:
0x37: {  	_ = 	snop;
	(pc) =	sbr.rel .LBB2_2-.Ltmp2, $4  }
0x38: {  	_ = 	snop  }
0x39: {  	[tilespmem:s15], [sflag:$0x1] =	stream.indirect.gather [hbm4b:s3+s9], $0x20, s14, s9, $0xb8;
	[tilespmem:$0xCF00] =	vst v63  }
0x3a: {  	s6 =	smov.u32 s22;
	s7 =	smov.u32 s21;
	s23 =	simm.s32 $0x0  }
0x3b: {  	[tilespmem:s17], [sflag:$0x1] =	stream.indirect.gather [hbm4b:s3+s9], $0x20, s16, s9, $0xb8;
	[tilespmem:$0xCF00] =	vst v63  }
.LBB2_5:
0x3c: {  	s26 =	smul.u32 $0xE00, s25;
	_ =	sdelay $0x1  }
0x3d: {  	s28 =	smul.u32 $0x19000, s25;
	s26 =	sshrl.u32 s26, $0x2  }
0x3e: {  	[tilespmem:s26], [sflag:$0x5] =	stream.linear.gather [hbm4b:s7+s2], $0x380, $0x38;
	[tilespmem:$0xCF00] =	vst v63  }
0x3f: {  	_ =	swait.ge [sflag:s8], $0x380  }
0x40: {  	s28 =	sshrl.u32 s28, $0x2;
	[sflag:s8] =	ssyncset.done $0x0  }
0x41: {  	s25 =	sadd.s32 $0x1, s25;
	s29 =	sadd.s32 $0x700, s28;
	[sflag:s8] =	ssyncadd.s32 $0xFFFFFC80  }
0x42: {  	[tilespmem:s29], [sflag:s25] =	stream.indirect.gather [hbm4b:s3+s9], $0x20, s26, s9, $0xb8;
	[tilespmem:$0xCF00] =	vst v63  }
0x43: {  	s30 =	sor.u32 $0x38, s26;
	s29 =	sadd.s32 $0xD40, s28  }
0x44: {  	[tilespmem:s29], [sflag:s25] =	stream.indirect.gather [hbm4b:s3+s9], $0x20, s30, s9, $0xb8;
	[tilespmem:$0xCF00] =	vst v63  }
0x45: {  	s29 =	sadd.s32 $0x1380, s28;
	s30 =	sor.u32 $0x70, s26  }
0x46: {  	[tilespmem:s29], [sflag:s25] =	stream.indirect.gather [hbm4b:s3+s9], $0x20, s30, s9, $0xb8;
	[tilespmem:$0xCF00] =	vst v63  }
0x47: {  	s29 =	sadd.s32 $0x19C0, s28;
	s30 =	sadd.s32 $0xA8, s26  }
0x48: {  	[tilespmem:s29], [sflag:s25] =	stream.indirect.gather [hbm4b:s3+s9], $0x20, s30, s9, $0xb8;
	[tilespmem:$0xCF00] =	vst v63  }
0x49: {  	s29 =	sadd.s32 $0x2000, s28;
	s30 =	sadd.s32 $0xE0, s26  }
0x4a: {  	[tilespmem:s29], [sflag:s25] =	stream.indirect.gather [hbm4b:s3+s9], $0x20, s30, s9, $0xb8;
	[tilespmem:$0xCF00] =	vst v63  }
0x4b: {  	s29 =	sadd.s32 $0x2640, s28;
	s30 =	sadd.s32 $0x118, s26  }
0x4c: {  	[tilespmem:s29], [sflag:s25] =	stream.indirect.gather [hbm4b:s3+s9], $0x20, s30, s9, $0xb8;
	[tilespmem:$0xCF00] =	vst v63  }
0x4d: {  	s29 =	sadd.s32 $0x2C80, s28;
	s30 =	sadd.s32 $0x150, s26  }
0x4e: {  	[tilespmem:s29], [sflag:s25] =	stream.indirect.gather [hbm4b:s3+s9], $0x20, s30, s9, $0xb8;
	[tilespmem:$0xCF00] =	vst v63  }
0x4f: {  	s29 =	sadd.s32 $0x32C0, s28;
	s30 =	sadd.s32 $0x188, s26  }
0x50: {  	[tilespmem:s29], [sflag:s25] =	stream.indirect.gather [hbm4b:s3+s9], $0x20, s30, s9, $0xb8;
	[tilespmem:$0xCF00] =	vst v63  }
0x51: {  	s29 =	sadd.s32 $0x3900, s28;
	s30 =	sadd.s32 $0x1C0, s26  }
0x52: {  	[tilespmem:s29], [sflag:s25] =	stream.indirect.gather [hbm4b:s3+s9], $0x20, s30, s9, $0xb8;
	[tilespmem:$0xCF00] =	vst v63  }
0x53: {  	s29 =	sadd.s32 $0x3F40, s28;
	s30 =	sadd.s32 $0x1F8, s26  }
0x54: {  	[tilespmem:s29], [sflag:s25] =	stream.indirect.gather [hbm4b:s3+s9], $0x20, s30, s9, $0xb8;
	[tilespmem:$0xCF00] =	vst v63  }
0x55: {  	s29 =	sadd.s32 $0x4580, s28;
	s30 =	sadd.s32 $0x230, s26  }
0x56: {  	[tilespmem:s29], [sflag:s25] =	stream.indirect.gather [hbm4b:s3+s9], $0x20, s30, s9, $0xb8;
	[tilespmem:$0xCF00] =	vst v63  }
0x57: {  	s29 =	sadd.s32 $0x4BC0, s28;
	s30 =	sadd.s32 $0x268, s26  }
0x58: {  	[tilespmem:s29], [sflag:s25] =	stream.indirect.gather [hbm4b:s3+s9], $0x20, s30, s9, $0xb8;
	[tilespmem:$0xCF00] =	vst v63  }
0x59: {  	s29 =	sadd.s32 $0x5200, s28;
	s30 =	sadd.s32 $0x2A0, s26  }
0x5a: {  	[tilespmem:s29], [sflag:s25] =	stream.indirect.gather [hbm4b:s3+s9], $0x20, s30, s9, $0xb8;
	[tilespmem:$0xCF00] =	vst v63  }
0x5b: {  	s29 =	sadd.s32 $0x5840, s28;
	s30 =	sadd.s32 $0x2D8, s26  }
0x5c: {  	[tilespmem:s29], [sflag:s25] =	stream.indirect.gather [hbm4b:s3+s9], $0x20, s30, s9, $0xb8;
	[tilespmem:$0xCF00] =	vst v63  }
0x5d: {  	s29 =	sadd.s32 $0x5E80, s28;
	s30 =	sadd.s32 $0x310, s26  }
0x5e: {  	[tilespmem:s29], [sflag:s25] =	stream.indirect.gather [hbm4b:s3+s9], $0x20, s30, s9, $0xb8;
	[tilespmem:$0xCF00] =	vst v63  }
0x5f: {  	s28 =	sadd.s32 $0x64C0, s28;
	s26 =	sadd.s32 $0x348, s26  }
0x60: {  	[tilespmem:s28], [sflag:s25] =	stream.indirect.gather [hbm4b:s3+s9], $0x20, s26, s9, $0xb8;
	[tilespmem:$0xCF00] =	vst v63  }
.LBB2_6:
0x61: {  	s23 =	sadd.s32 $0x1, s23  }
0x62: {  	s25 =	sadd.s32 $0x1, s24;
	s26 =	smul.u32 $0x19000, s24;
	p0 =	sne.s32 s23, $0x20  }
.Ltmp3:
0x63: {  	_ =	swait.ge [sflag:s25], $0x6400;
	(pc) =	sbr.rel @!p0 .LBB2_7-.Ltmp3, $4  }
0x64: {  	[sflag:s25] =	ssyncset.done $0x0;
	s26 =	sshrl.u32 s26, $0x2  }
0x65: {  	s29 =	sadd.s32 $0x3, s24;
	[sflag:s25] =	ssyncadd.s32 $0xFFFF9C00;
	s30 =	sadd.s32 $0x700, s26  }
0x66: {  	[hbm4b:s6+s2] =	stream.linear.scatter [tilespmem:s30], [sflag:s29], $0x6400, $0x38;
	[tilespmem:$0xCF00] =	vst v63  }
0x67: {  	s7 =	sadd.s32 $0x70, s7;
	s6 =	sadd.s32 $0xC80, s6  }
.LBB2_2:
0x68: {  	p0 =	seq.s32 s23, $0x0  }
.Ltmp4:
0x69: {  	_ = 	snop;
	(pc) =	sbr.rel @p0 .LBB2_5-.Ltmp4, $3  }
0x6a: {  	_ =	sdelay $0x1  }
0x6b: {  	s24 =	sand.u32 $0x1, s23  }
0x6c: {  	s25 =	sxor.u32 $0x1, s24  }
0x6d: {  	p0 =	seq.s32 s23, $0x1F  }
.Ltmp5:
0x6e: {  	_ = 	snop;
	(pc) =	sbr.rel @p0 .LBB2_6-.Ltmp5, $1  }
0x6f: {  	_ =	sdelay $0x3  }
.Ltmp6:
0x70: {  	(pc) =	sbr.rel .LBB2_5-.Ltmp6, $4  }
0x71: {  	s26 =	sadd.s32 $0x3, s25  }
0x72: {  	_ =	swait.ge [sflag:s26], $0x6400  }
0x73: {  	[sflag:s26] =	ssyncset.done $0x0  }
0x74: {  	[sflag:s26] =	ssyncadd.s32 $0xFFFF9C00  }
.LBB2_8:
0x75: {  	_ =	sfence.sel $0x180000  }
0x76: {  	[bflag:$0x0] =	sbarrier.arrive $0xFFFF  }
0x77: {  	_ =	strace $0x90000047  }
0x78: {  	s0 =	stileid.u32;
	[bflag:$0x2] =	sbarrier.arrive $0xFFFF  }
0x79: {  	p0 =	sne.s32 s0, $0x0;
	s0 =	rddreg [dreg:$0x2]  }
0x7a: {  	s0 =	sadd.s32 @!p0 $0x100000, s0  }
0x7b: {  	[sflag:s0] =	ssyncadd.tile.s32 @!p0 $0x1;
	_ =	shalt  }
.Lfunc_end2:
_tile_overlayer_lowered:
.L_overlay_start_2:
0x7c: {  	(tag) =	ssettag $0x2  }
0x7d: {  	s0 =	rddreg [dreg:$0x0];
	s2 =	stileid.u32  }
0x7e: {  	s1 =	rddreg [dreg:$0x1];
	p0 =	sne.s32 s2, $0x0  }
0x7f: {  	s3 =	rddreg [dreg:$0x2];
	[bflag:$0x3] =	sbarrier.arrive $0xFFFF;
	s2 =	simm.s32 @!p0 $0x1C05  }
0x80: {  	[timem:s3], [sflag:s2] =	dma.local @!p0 [hbm:s0], s1  }
0x81: {  	s0 =	simm.s32 @!p0 $0x5  }
0x82: {  	_ =	swait.ge @!p0 [sflag:s0], s1  }
0x83: {  	s1 =	ssub.s32 @!p0 $0x0, s1;
	[sflag:s0] =	ssyncset.done @!p0 $0x0  }
0x84: {  	[sflag:s0] =	ssyncadd.s32 @!p0 s1  }
0x85: {  	[bflag:$0x3] =	sbarrier.arrive $0xFFFF  }
0x86: {  	_ =	shalt  }

// kernel: sparse-core-data-format-call.cloned.1.call-start
scs
called_computation_lowered:
.L_overlay_start_0:
0x0: {  	s2 =	sld [smem:$0x3FD9]  }
0x1: {  	s3 =	sld [smem:$0x3FFE];
	_ =	sdelay $0x1  }
0x2: {  	s1 =	srdreg.scid  }
0x3: {  	s0 =	sand.u32 $0x1, s1  }
0x4: {  	s18 =	sshll.u32 s0, $0xA;
	s2 =	sadd.s32 s3, s2  }
0x5: {  	s2 =	sadd.s32 s2, s18  }
0x6: {  	[smem:$0x3FC6] =	sst s2  }
0x7: {  	_ = 	snop  }
0x8: {  	s2 =	sld [smem:$0x3FD0];
	(tm) =	ssettm $0x1  }
0x9: {  	s19 =	sld [smem:$0x3FFB];
	_ =	sdelay $0x3  }
0xa: {  	_ =	strace s19  }
0xb: {  	s3 =	sld [smem:$0x3FFC];
	_ =	sdelay $0x3  }
0xc: {  	_ =	strace s3  }
0xd: {  	s3 =	sld [smem:$0x3FFD];
	_ =	sdelay $0x3  }
0xe: {  	_ =	strace s3  }
0xf: {  	_ =	strace $0x8FFFFFFF  }
0x10: {  	s20 =	sld [smem:$0x3FDB];
	_ =	sdelay $0x1  }
0x11: {  	s4 =	simm.s32 $_scs_section_size  }
0x12: {  	s5 =	simm.s32 $_size__tile_overlayer_lowered;
	s6 =	simm.s32 $_tile_overlayer_lowered  }
0x13: {  	s23 =	simm.s32 $0x1BFF;
	s22 =	sshll.u32 s6, $0x1;
	s3 =	sadd.s32 s4, s20  }
0x14: {  	s7 =	simm.s32 $0x0;
	s21 =	sshll.u32 s5, $0x1;
	s5 =	sadd.s32 s22, s3  }
0x15: {  	[timem:s7], [sflag:s23] =	dma.local [hbm:s5], s21  }
0x16: {  	_ =	swait.ge [sflag:s23], s21  }
0x17: {  	s4 =	ssub.s32 $0x0, s21;
	[sflag:s23] =	ssyncset.done $0x0  }
0x18: {  	[sflag:s23] =	ssyncadd.s32 s4;
	_ =	sdelay $0x1  }
0x19: {  	s24 =	simm.s32 $0x1B8B  }
0x1a: {  	_ =	swait.ge [sflag:s24], $0x1  }
0x1b: {  	[sflag:s24] =	ssyncset.done $0x0  }
0x1c: {  	s26 =	simm.s32 $0x1B8E;
	s25 =	sld [smem:$0x3FFE];
	[sflag:s24] =	ssyncadd.s32 $0xFFFFFFFF  }
0x1d: {  	s27 =	simm.s32 $execute0_lowered;
	[smem:$0x3FD2] =	sst s26  }
0x1e: {  	s5 =	sshll.u32 s27, $0x1;
	_ =	strace $0x80000049;
	[dreg:$0x1] =	wrdreg $0xFFFFFFFF  }
0x1f: {  	s28 =	simm.s32 $_size_execute0_lowered;
	s3 =	sadd.s32 s3, s5;
	[dreg:$0x0] =	wrdreg $0x0  }
0x20: {  	s5 =	sshll.u32 s28, $0x1;
	[dreg:$0x2] =	wrdreg s3  }
0x21: {  	[dreg:$0x3] =	wrdreg s5  }
0x22: {  	[dreg:$0x4] =	wrdreg $0xC0  }
0x23: {  	_ =	task [dreg:s7], $0x5FFFF  }
0x24: {  	[dreg:$0x1] =	wrdreg $0xFFFFFFFF  }
0x25: {  	[dreg:$0x0] =	wrdreg $0x60  }
0x26: {  	[dreg:$0x2] =	wrdreg s25  }
0x27: {  	[dreg:$0x3] =	wrdreg s2  }
0x28: {  	[dreg:$0x4] =	wrdreg $0x9  }
0x29: {  	_ =	task.clear_ibuf [dreg:s7], $0x5FFFF;
	_ =	strace $0x90000049  }
0x2a: {  	s29 =	simm.s32 $0x9;
	_ =	strace $0x8000004B  }
0x2b: {  	_ =	swait.ge [sflag:s29], $0x1  }
0x2c: {  	[sflag:s29] =	ssyncadd.s32 $0xFFFFFFFF  }
0x2d: {  	_ =	strace $0x9000004B  }
0x2e: {  	_ =	sfence  }
0x2f: {  	s30 =	sld [smem:$0x0];
	_ =	sdelay $0x2  }
0x30: {  	s31 =	sshll.u32 s1, $0xD;
	s1 =	sshrl.u32 s1, $0x2  }
0x31: {  	s3 =	sand.u32 $0x4000, s31;
	s1 =	sadd.s32 s1, s30  }
0x32: {  	s0 =	sor.u32 s3, s0;
	s1 =	sshll.u32 s1, $0x11  }
0x33: {  	s0 =	sor.u32 s1, s0  }
0x34: {  	s0 =	sadd.s32 $0x8F2B, s0  }
0x35: {  	[sflag:s0] =	ssyncadd.remote.s32 $0x1  }
0x36: {  	_ =	sfence.sel $0xFFFF  }
0x37: {  	[dreg:$0x0] =	wrdreg $0xFFFFFFFF;
	(pc) =	sbr.abs _section_cstart, $3  }
0x38: {  	[dreg:$0x1] =	wrdreg $0xFFFFFFFF  }
0x39: {  	_ =	task.clear_ibuf [dreg:s7], $0x2FFFF;
	_ =	strace $0x9FFFFFFF  }
0x3a: {  	(tm) =	ssettm $0x7FFFFFFF  }
0x3b: {  	_ =	shalt  }
tec
execute0_lowered:
.L_overlay_start_1:
0x0: {  	(tag) =	ssettag $0x1  }
0x1: {  	s0 =	srdreg.scid  }
0x2: {  	s1 =	sshll.u32 s0, $0x4  }
0x3: {  	s0 =	stileid.u32;
	s1 =	sand.u32 $0x10, s1  }
0x4: {  	s1 =	sor.u32 s0, s1  }
0x5: {  	s6 =	rddreg [dreg:$0x0];
	s4 =	simm.s32 $0x1;
	s2 =	sshll.u32 s1, $0x7  }
0x6: {  	s7 =	simm.s32 $0x2;
	s12 =	simm.s32 $0x0;
	s1 =	ssub.s32 $0x4000, s2  }
0x7: {  	s8 =	simm.s32 $0x20000;
	s13 =	simm.s32 $0x0;
	s3 =	sand.u32 $0xF80, s1  }
0x8: {  	s9 =	simm.s32 $0x0;
	s5 =	sshrl.u32 s1, $0xC;
	p0 =	sne.s32 s3, $0x0  }
.Ltmp0:
0x9: {  	s1 =	rddreg [dreg:$0x2];
	s4 =	simm.s32 @!p0 $0x0;
	(pc) =	sbr.rel .LBB1_1-.Ltmp0, $4  }
0xa: {  	s11 =	simm.s32 $0x0;
	s3 =	rddreg [dreg:$0x1];
	s5 =	sadd.s32 s4, s5  }
0xb: {  	_ =	strace $0x8000004A;
	s4 =	simm.s32 $0x1;
	s5 =	smul.u32 $0x32, s5  }
0xc: {  	s6 =	sadd.s32 $0xA00, s6;
	s10 =	smov.u32 s2;
	[sflag:s4] =	ssyncpa.u1 $0x0  }
0xd: {  	p0 =	por $0x0, $0x0;
	[sflag:s7] =	ssyncpa.u1 $0x0;
	s7 =	sor.u32 $0x1, s5  }
.LBB1_4:
0xe: {  	s16 =	sshll.u32 s13, $0x3;
	s17 =	sand.u32 $0x78, s13  }
0xf: {  	s30 =	sand.u32 $0xF800, s13;
	s12 =	sshll.u32 s12, $0x10;
	s16 =	sand.u32 $0x3C00, s16  }
0x10: {  	s31 =	sand.u32 $0x7, s13;
	s16 =	sor.u32 s17, s16;
	s17 =	sadd.s32 s3, s30  }
0x11: {  	s13 =	sshll.u32 s31, $0x12;
	s16 =	sshrl.u32 s16, $0x3;
	s12 =	sadd.s32 s12, s17  }
0x12: {  	[tilespmem:s15+$0x0 ss:$0x81] =	vst.msk $0xffff, v0;
	s13 =	sor.u32 $0x400, s13;
	s12 =	sadd.s32 s16, s12  }
0x13: {  	[hbm4b:s12+s13] =	stream.strided.scatter [tilespmem:s14], [sflag:$0x2], $0x1000, s8, s13, $0x20;
	[tilespmem:$0x4040] =	vst v63  }
.LBB1_5:
0x14: {  	s14 =	sadd.s32 $0x1, s9  }
0x15: {  	s12 =	sadd.s32 $0x1000, s10;
	s16 =	smov.u32 s10;
	p2 =	sgt.s32 s14, $0x31  }
0x16: {  	s16 =	smov.u32 @p2 s12  }
0x17: {  	s14 =	simm.s32 @p2 $0x0;
	p2 =	sgt.s32 s16, $0x3FFF  }
0x18: {  	s16 =	smov.u32 @p2 s2;
	p2 =	sne.s32 s11, s7  }
.Ltmp1:
0x19: {  	p1 =	slt.u32 s11, $0x2;
	(pc) =	sbr.rel @!p2 .LBB1_6-.Ltmp1, $4  }
0x1a: {  	s15 =	simm.s32 @!p1 $0x2  }
0x1b: {  	s13 =	smov.u32 s10;
	p0 =	por !p0, !p0;
	_ =	swait.ge @!p1 [sflag:s15], $0x1000  }
0x1c: {  	s12 =	smov.u32 s9;
	[sflag:s15] =	ssyncset.done @!p1 $0x0;
	s9 =	smov.u32 s14  }
0x1d: {  	s11 =	sadd.s32 $0x1, s11;
	[sflag:s15] =	ssyncadd.s32 @!p1 $0xFFFFF000;
	s10 =	smov.u32 s16  }
.LBB1_1:
0x1e: {  	p1 =	sge.u32 s11, s5  }
0x1f: {  	s14 =	sand.u32 @!p1 $0x1FFFFFF, s9  }
0x20: {  	s15 =	smulhi.u32 @!p1 $0x4924925, s14;
	_ =	sdelay $0x1  }
0x21: {  	s15 =	smul.u32 @!p1 $0x38, s15  }
0x22: {  	s16 =	sxor.u32 @!p1 $0xFFFFFFFF, s11;
	s17 =	smul.u32 @!p1 $0x380, s10  }
0x23: {  	s31 =	sadd.s32 $0xFFFFFFFF, s11;
	s16 =	sshll.u32 @!p1 s16, $0xC;
	s14 =	ssub.s32 @!p1 s14, s15  }
0x24: {  	s15 =	sand.u32 @!p1 $0x1000, s16;
	s16 =	sadd.s32 @!p1 s6, s17;
	s14 =	sshll.u32 @!p1 s14, $0x4  }
0x25: {  	s17 =	simm.s32 @!p1 $0x1C00;
	s14 =	sadd.s32 @!p1 s14, s16;
	s16 =	simm.s32 @!p1 $0x20  }
0x26: {  	[tilespmem:s15], [sflag:$0x1] =	stream.strided.gather @!p1 [hbm4b:s14+s16], $0x1000, s17, s16, $0x38;
	[tilespmem:$0x4040] =	vst v63  }
0x27: {  	p1 =	sge.u32 s31, s5  }
.Ltmp2:
0x28: {  	_ = 	snop;
	(pc) =	sbr.rel @p1 .LBB1_5-.Ltmp2, $1  }
0x29: {  	_ =	sdelay $0x3  }
0x2a: {  	s14 =	simm.s32 $0x1  }
0x2b: {  	_ =	swait.ge [sflag:s4], $0x1000;
	s14 =	simm.s32 @!p0 $0x0  }
0x2c: {  	[sflag:s4] =	ssyncset.done $0x0;
	s15 =	sshll.u32 s14, $0xC  }
0x2d: {  	[sflag:s4] =	ssyncadd.s32 $0xFFFFF000;
	s18 =	sor.u32 $0x10, s15  }
0x2e: {  	s14 =	smul.u32 $0x4080, s14;
	v1 =	vld [tilespmem:s18+$0x0]  }
0x2f: {  	s30 =	sand.u32 $0x1, s11;
	v0 =	vld [tilespmem:s18+$0xFFFFFFF0]  }
0x30: {  	s15 =	smul.u32 $0x4080, s30;
	s14 =	sshrl.u32 s14, $0x2  }
0x31: {  	s16 =	sor.u32 $0x2000, s14  }
0x32: {  	s31 =	sshrl.u32 s15, $0x2;
	s15 =	sadd.s32 $0x0, s16  }
0x33: {  	s17 =	simm.s32 $0x4;
	s18 =	sadd.s32 $0x20, s18;
	s14 =	sor.u32 $0x2000, s31;
	[tilespmem:s15+$0x810 ss:$0x81] =	vst.msk $0xffff, v1  }
.LBB1_3:
0x34: {  	v1 =	vld [tilespmem:s18+$0x0];
	p1 =	sne.s32 s17, $0x1FC;
	[tilespmem:s15+$0x0 ss:$0x81] =	vst.msk $0xffff, v0;
	s15 =	smov.u32 s17;
	s17 =	sadd.s32 $0x4, s17  }
.Ltmp3:
0x35: {  	v0 =	vld [tilespmem:s18+$0xFFFFFFF0];
	(pc) =	sbr.rel @p1 .LBB1_3-.Ltmp3, $4  }
0x36: {  	_ = 	snop  }
0x37: {  	s15 =	sshra.s32 s15, $0x2  }
0x38: {  	s15 =	sadd.s32 s15, s16  }
0x39: {  	s18 =	sadd.s32 $0x20, s18;
	[tilespmem:s15+$0x810 ss:$0x81] =	vst.msk $0xffff, v1  }
.Ltmp4:
0x3a: {  	_ = 	snop;
	(pc) =	sbr.rel .LBB1_4-.Ltmp4, $1  }
0x3b: {  	_ =	sdelay $0x3  }
.LBB1_6:
0x3c: {  	_ =	sfence.sel $0x180000  }
0x3d: {  	s2 =	simm.s32 $0x1;
	[bflag:$0x0] =	sbarrier.arrive $0xFFFF  }
0x3e: {  	s31 =	simm.s32 $0x2;
	[sflag:s2] =	ssyncpa.u1 $0x1  }
0x3f: {  	[sflag:s31] =	ssyncpa.u1 $0x1  }
0x40: {  	p0 =	sne.s32 s0, $0x0;
	_ =	strace $0x9000004A  }
0x41: {  	s0 =	sadd.s32 @!p0 $0x100000, s1;
	[bflag:$0x2] =	sbarrier.arrive $0xFFFF  }
0x42: {  	[sflag:s0] =	ssyncadd.tile.s32 @!p0 $0x1;
	_ =	shalt  }
.Lfunc_end1:
_tile_overlayer_lowered:
.L_overlay_start_2:
0x43: {  	(tag) =	ssettag $0x2  }
0x44: {  	s0 =	rddreg [dreg:$0x0];
	s2 =	stileid.u32  }
0x45: {  	s1 =	rddreg [dreg:$0x1];
	p0 =	sne.s32 s2, $0x0  }
0x46: {  	s3 =	rddreg [dreg:$0x2];
	[bflag:$0x3] =	sbarrier.arrive $0xFFFF;
	s2 =	simm.s32 @!p0 $0x1C01  }
0x47: {  	[timem:s3], [sflag:s2] =	dma.local @!p0 [hbm:s0], s1  }
0x48: {  	s0 =	simm.s32 @!p0 $0x1  }
0x49: {  	_ =	swait.ge @!p0 [sflag:s0], s1  }
0x4a: {  	s1 =	ssub.s32 @!p0 $0x0, s1;
	[sflag:s0] =	ssyncset.done @!p0 $0x0  }
0x4b: {  	[sflag:s0] =	ssyncadd.s32 @!p0 s1  }
0x4c: {  	[bflag:$0x3] =	sbarrier.arrive $0xFFFF  }
0x4d: {  	_ =	shalt  }

</sc_bundles>
